<compile_context>
chip_gen: v7x
topology: tpu7x:2x2x1
jax: 0.10.2.dev20260603
libtpu: 0.0.44.dev20260713+nightly
codegen_flags: <defaults>
</compile_context>

<pallas_src>
import functools

import jax
import jax.numpy as jnp
from jax import lax
from jax.experimental import pallas as pl
from jax.experimental.pallas import tpu as pltpu
from jax.experimental.pallas import tpu_sc as plsc

_N = 6144
_TILE = 256
_NT = _N // _TILE
_CUT2 = 25.0

_NC = 2
_NS = 16
_NW = _NC * _NS
_CHUNK = _N // _NW
_GROUPS = _CHUNK // 16
_NB = _N // 16


def _deg_body(gid_hbm, pos_hbm, out_hbm, gid_v, pos_v, deg_v, sem1, sem2):
    wid = lax.axis_index("s") * _NC + lax.axis_index("c")
    base = wid * _CHUNK
    c1 = pltpu.async_copy(gid_hbm, gid_v, sem1)
    c2 = pltpu.async_copy(pos_hbm, pos_v, sem2)
    c1.wait()
    c2.wait()

    def search_block(target, strict_upper):
        def body(_, state):
            lo_b, hi_b = state
            mid = (lo_b + hi_b) // 2
            hd = gid_v[pl.ds(mid * 16, 16)][0]
            go = (hd <= target) if strict_upper else (hd < target)
            return jnp.where(go, mid + 1, lo_b), jnp.where(go, hi_b, mid)
        lo_b, _ = lax.fori_loop(0, 9, body, (0, _NB))
        return jnp.maximum(lo_b - 1, 0)

    lane = lax.iota(jnp.int32, 16)
    _dnums = lax.GatherDimensionNumbers(
        offset_dims=(), collapsed_slice_dims=(0,), start_index_map=(0,))

    def rot(v, p):
        return lax.gather(v, p[:, None], _dnums, (1,),
                          mode=lax.GatherScatterMode.PROMISE_IN_BOUNDS)

    def group_body(k, _):
        gbase = base + k * 16
        gidi = gid_v[pl.ds(gbase, 16)]
        pxi = pos_v[pl.ds(gbase, 16)]
        pyi = pos_v[pl.ds(_N + gbase, 16)]
        pzi = pos_v[pl.ds(2 * _N + gbase, 16)]
        sqi = pxi * pxi + pyi * pyi + pzi * pzi
        lane_idx = gbase + lane

        blk_lo = search_block(gidi[0], False)
        blk_hi = search_block(gidi[15], True)

        def jb_body(jb, deg):
            j0 = jb * 16
            gj = gid_v[pl.ds(j0, 16)]
            xj = pos_v[pl.ds(j0, 16)]
            yj = pos_v[pl.ds(_N + j0, 16)]
            zj = pos_v[pl.ds(2 * _N + j0, 16)]
            def r_body(rq, deg_r):
                for u in range(4):
                    p = lax.rem(lane + (rq * 4 + u), jnp.int32(16))
                    gr = rot(gj, p)
                    xr = rot(xj, p)
                    yr = rot(yj, p)
                    zr = rot(zj, p)
                    sr = xr * xr + yr * yr + zr * zr
                    d2 = sqi + sr - 2.0 * (pxi * xr + pyi * yr + pzi * zr)
                    ok = (gidi == gr) & (d2 < _CUT2) & (lane_idx != j0 + p)
                    deg_r = deg_r + jnp.where(ok, 1.0, 0.0)
                return deg_r

            return lax.fori_loop(0, 4, r_body, deg)

        deg = lax.fori_loop(blk_lo, blk_hi + 1, jb_body,
                            jnp.zeros((16,), jnp.float32))
        deg_v[pl.ds(k * 16, 16)] = deg
        return 0

    lax.fori_loop(0, _GROUPS, group_body, 0)
    pltpu.sync_copy(deg_v, out_hbm.at[pl.ds(base, _CHUNK)])


_deg_kernel = functools.partial(
    pl.kernel,
    out_type=jax.ShapeDtypeStruct((_N,), jnp.float32),
    mesh=plsc.VectorSubcoreMesh(core_axis_name="c", subcore_axis_name="s",
                                num_cores=_NC, num_subcores=_NS),
    scratch_types=[
        pltpu.VMEM((_N,), jnp.int32),
        pltpu.VMEM((3 * _N,), jnp.float32),
        pltpu.VMEM((_CHUNK,), jnp.float32),
        pltpu.SemaphoreType.DMA,
        pltpu.SemaphoreType.DMA,
    ],
)(_deg_body)


def _mlp_dot_kernel(atoms_ref, deg_ref, emb_ref, wf1_ref, bf1_ref,
                    wf2_ref, bf2_ref, out_ref):
    embt = emb_ref[...]
    h = jax.lax.dot_general(embt, wf1_ref[...], (((1,), (1,)), ((), ())),
                            precision=jax.lax.Precision.HIGHEST,
                            preferred_element_type=jnp.float32) + bf1_ref[...]
    hs = h * jax.nn.sigmoid(h)
    w2s = jnp.sum(wf2_ref[...], axis=0, keepdims=True)
    gtab = jnp.sum(hs * w2s, axis=1, keepdims=True)
    gtab = gtab + jnp.sum(bf2_ref[...])

    col_iota = jax.lax.broadcasted_iota(jnp.int32, (128, 1), 0)
    onehot = (col_iota == atoms_ref[...]).astype(jnp.float32)
    acc = jax.lax.dot_general(onehot, deg_ref[...], (((1,), (1,)), ((), ())),
                              precision=jax.lax.Precision.HIGHEST,
                              preferred_element_type=jnp.float32)
    out_ref[0] = jnp.sum(acc * gtab)


def kernel(atoms, atom_positions, graph_indexes, emb, Wm1, bm1, Wm2, bm2,
           Wrbf, brbf, WU, WV, Wu1, bu1, Wu2, bu2, Wf1, bf1, Wf2, bf2):
    gid = graph_indexes.astype(jnp.int32)
    pos = atom_positions.astype(jnp.float32)
    pos_packed = pos.T.reshape(3 * _N)
    deg = _deg_kernel(gid, pos_packed)

    atoms2 = atoms.astype(jnp.int32).reshape(1, _N)
    emb_p = jnp.zeros((128, 128), jnp.float32).at[:emb.shape[0]].set(emb)
    out = pl.pallas_call(
        _mlp_dot_kernel,
        out_shape=jax.ShapeDtypeStruct((1,), jnp.float32),
        in_specs=[pl.BlockSpec(memory_space=pltpu.VMEM)] * 7,
        out_specs=pl.BlockSpec(memory_space=pltpu.SMEM),
    )(atoms2, deg.reshape(1, _N), emb_p, Wf1, bf1.reshape(1, -1),
      Wf2, bf2.reshape(1, -1))
    return out[0]

# --- scband reference (transcript-rebuilt; emitter-appended) ---
"""Pipeline reference for scband-pai-nn-53798760349728 (READ-ONLY COPY).

The authoritative reference and input builder live on the scoring server;
editing this copy changes nothing except your own understanding.
"""

import jax, jax.numpy as jnp
import numpy as np

N = 6144
NG = 512
NATOM = 100
F = 128
NRBF = 20
CUT = 5.0
L = 3
NCHUNK = 192
B = N // NCHUNK

silu = jax.nn.silu


def setup_inputs(seed: int = 0) -> dict:
    key = jax.random.key(seed)
    ks = jax.random.split(key, 16)
    s = 0.05
    atoms = jax.random.randint(ks[0], (N,), 0, NATOM)
    atom_positions = jax.random.normal(ks[1], (N, 3), dtype=jnp.float32)
    graph_indexes = jnp.sort(jax.random.randint(ks[2], (N,), 0, NG))
    emb = jax.random.normal(ks[3], (NATOM, F), dtype=jnp.float32) * s
    Wm1 = jax.random.normal(ks[4], (L, F, F), dtype=jnp.float32) * s
    bm1 = jnp.zeros((L, F), dtype=jnp.float32)
    Wm2 = jax.random.normal(ks[5], (L, 3 * F, F), dtype=jnp.float32) * s
    bm2 = jnp.zeros((L, 3 * F), dtype=jnp.float32)
    Wrbf = jax.random.normal(ks[6], (L, 3 * F, NRBF), dtype=jnp.float32) * s
    brbf = jnp.zeros((L, 3 * F), dtype=jnp.float32)
    WU = jax.random.normal(ks[7], (L, F, F), dtype=jnp.float32) * s
    WV = jax.random.normal(ks[8], (L, F, F), dtype=jnp.float32) * s
    Wu1 = jax.random.normal(ks[9], (L, F, 2 * F), dtype=jnp.float32) * s
    bu1 = jnp.zeros((L, F), dtype=jnp.float32)
    Wu2 = jax.random.normal(ks[10], (L, 3 * F, F), dtype=jnp.float32) * s
    bu2 = jnp.zeros((L, 3 * F), dtype=jnp.float32)
    Wf1 = jax.random.normal(ks[11], (F, F), dtype=jnp.float32) * s
    bf1 = jnp.zeros((F,), dtype=jnp.float32)
    Wf2 = jax.random.normal(ks[12], (F, F), dtype=jnp.float32) * s
    bf2 = jnp.zeros((F,), dtype=jnp.float32)
    return dict(atoms=atoms, atom_positions=atom_positions, graph_indexes=graph_indexes,
                emb=emb, Wm1=Wm1, bm1=bm1, Wm2=Wm2, bm2=bm2, Wrbf=Wrbf, brbf=brbf,
                WU=WU, WV=WV, Wu1=Wu1, bu1=bu1, Wu2=Wu2, bu2=bu2,
                Wf1=Wf1, bf1=bf1, Wf2=Wf2, bf2=bf2)


def make_adjacency(atom_positions, graph_indexes):
    same = graph_indexes[:, None] == graph_indexes[None, :]
    sq = jnp.sum(atom_positions * atom_positions, axis=-1)
    d2 = sq[:, None] + sq[None, :] - 2.0 * (atom_positions @ atom_positions.T)
    mask = same & (d2 < CUT * CUT) & (~jnp.eye(N, dtype=bool))
    return mask


def painn_forward(atom_positions, emb, Wm1, bm1, Wm2, bm2, Wrbf, brbf, WU, WV,
                  Wu1, bu1, Wu2, bu2, Wf1, bf1, Wf2, bf2, atoms, mask):
    s_atom = emb[atoms]
    nvec = jnp.arange(1, NRBF + 1, dtype=jnp.float32)
    phi_all = jnp.stack([silu(s_atom @ Wm1[l].T + bm1[l]) @ Wm2[l].T + bm2[l]
                         for l in range(L)])
    f_atom = silu(s_atom @ Wf1.T + bf1) @ Wf2.T + bf2

    def chunk_fn(chunk):
        posb, mb = chunk
        m = mb.astype(jnp.float32)
        r_ij = atom_positions[None, :, :] - posb[:, None, :]
        rn = jnp.linalg.norm(r_ij, axis=-1)
        rn_safe = jnp.where(mb, rn, 1.0)
        rbf = jnp.sin(nvec[None, None, :] * jnp.pi / CUT * rn[..., None]) / rn_safe[..., None]
        fc = 0.5 * (jnp.cos(jnp.pi * rn / CUT) + 1.0)
        rdir = (r_ij / rn_safe[..., None])[:, :, None, :]
        v_j = jnp.zeros((B, N, F, 3), dtype=jnp.float32)
        ds_l = []
        dv_l = []
        for l in range(L):
            # Message
            W = fc[..., None] * (rbf @ Wrbf[l].T + brbf[l])
            conv = phi_all[l][None, :, :] * W
            split_vj = conv[:, :, 0:F, None]
            split_rj = conv[:, :, F:2 * F, None]
            delta_sjm = conv[:, :, 2 * F:3 * F]
            tmp_vim = v_j * split_vj + split_rj * rdir
            dv_l.append(jnp.sum(m[:, :, None, None] * tmp_vim, axis=1))
            ds_l.append(jnp.sum(m[:, :, None] * delta_sjm, axis=1))
        out_c = jnp.sum(m[:, :, None] * f_atom[None, :, :])
        return jnp.stack(ds_l), jnp.stack(dv_l), out_c

    ds, dv, outs = jax.lax.map(
        chunk_fn, (atom_positions.reshape(NCHUNK, B, 3), mask.reshape(NCHUNK, B, N)))
    delta_sim_all = jnp.transpose(ds, (1, 0, 2, 3)).reshape(L, N, F)
    delta_vim_all = jnp.transpose(dv, (1, 0, 2, 3, 4)).reshape(L, N, F, 3)

    s_i = s_atom
    v_i = jnp.zeros((N, F, 3), dtype=jnp.float32)
    for l in range(L):
        v_i = v_i + delta_vim_all[l]
        s_i = s_i + delta_sim_all[l]
        # Update
        vp = jnp.transpose(v_i, (0, 2, 1))
        U = vp @ WU[l].T
        V = vp @ WV[l].T
        st = jnp.concatenate([s_i, jnp.linalg.norm(V, axis=1)], axis=-1)
        a = silu(st @ Wu1[l].T + bu1[l]) @ Wu2[l].T + bu2[l]
        a_vv = a[:, 0:F]
        a_sv = a[:, F:2 * F]
        a_ss = a[:, 2 * F:3 * F]
        sp = jnp.sum(U * V, axis=1)
        delta_viu = U * a_vv[:, None, :]
        delta_siu = sp * a_sv + a_ss
        v_i = v_i + jnp.transpose(delta_viu, (0, 2, 1))
        s_i = s_i + delta_siu
    return jnp.sum(outs)


def reference(atoms, atom_positions, graph_indexes, emb, Wm1, bm1, Wm2, bm2,
              Wrbf, brbf, WU, WV, Wu1, bu1, Wu2, bu2, Wf1, bf1, Wf2, bf2):
    mask = make_adjacency(atom_positions, graph_indexes)
    return painn_forward(atom_positions, emb, Wm1, bm1, Wm2, bm2, Wrbf, brbf,
                         WU, WV, Wu1, bu1, Wu2, bu2, Wf1, bf1, Wf2, bf2,
                         atoms, mask)

if __name__ == "__main__":
    import jax
    _d = setup_inputs()
    print(jax.jit(kernel)(*tuple(_d.values())))

</pallas_src>

<mosaic_0001>
#map = affine_map<(d0, d1) -> (0)>
module attributes {stable_mosaic.version = 14 : i64} {
  func.func @_deg_body(%arg0: i32, %arg1: i32, %arg2: memref<6144xi32, #tpu.memory_space<hbm>>, %arg3: memref<18432xf32, #tpu.memory_space<hbm>>, %arg4: memref<6144xf32, #tpu.memory_space<hbm>>, %arg5: memref<6144xi32, #tpu.memory_space<vmem>>, %arg6: memref<18432xf32, #tpu.memory_space<vmem>>, %arg7: memref<192xf32, #tpu.memory_space<vmem>>, %arg8: memref<!tpu.dma_semaphore, #tpu.memory_space<semaphore_mem>>, %arg9: memref<!tpu.dma_semaphore, #tpu.memory_space<semaphore_mem>>) attributes {dimension_semantics = [#tpu.dimension_semantics<core_parallel>, #tpu.dimension_semantics<subcore_parallel>], iteration_bounds = array<i64: 2, 16>, scalar_prefetch = 0 : i64, scratch_operands = 5 : i64, tpu.core_type = #tpu.core_type<sc_vector_subcore>, window_params = [{transform_indices = #map}, {transform_indices = #map}, {transform_indices = #map}]} {
    %mul3A = arith.constant 2 : i32
    %mul3A_0 = arith.muli %arg1, %mul3A : i32
    %add3A = arith.addi %mul3A_0, %arg0 : i32
    %mul3A_1 = arith.constant 192 : i32
    %mul3A_2 = arith.muli %add3A, %mul3A_1 : i32
    tpu.enqueue_dma source(%arg2 : memref<6144xi32, #tpu.memory_space<hbm>>) target(%arg5 : memref<6144xi32, #tpu.memory_space<vmem>>) target_semaphore(%arg8 : memref<!tpu.dma_semaphore, #tpu.memory_space<semaphore_mem>>)
    tpu.enqueue_dma source(%arg3 : memref<18432xf32, #tpu.memory_space<hbm>>) target(%arg6 : memref<18432xf32, #tpu.memory_space<vmem>>) target_semaphore(%arg9 : memref<!tpu.dma_semaphore, #tpu.memory_space<semaphore_mem>>)
    tpu.wait_dma2 semaphore(%arg8 : memref<!tpu.dma_semaphore, #tpu.memory_space<semaphore_mem>>) src(%arg2 : memref<6144xi32, #tpu.memory_space<hbm>>) dst(%arg5 : memref<6144xi32, #tpu.memory_space<vmem>>)
    tpu.wait_dma2 semaphore(%arg9 : memref<!tpu.dma_semaphore, #tpu.memory_space<semaphore_mem>>) src(%arg3 : memref<18432xf32, #tpu.memory_space<hbm>>) dst(%arg6 : memref<18432xf32, #tpu.memory_space<vmem>>)
    %iota3A = tpu.iota {dimensions = array<i32: 0>} : vector<16xi32>
    %scan3A = arith.constant 0 : i32
    %scan3A_3 = arith.constant 0 : i32
    %scan3A_4 = arith.constant 12 : i32
    %scan3A_5 = arith.addi %scan3A_3, %scan3A_4 : i32
    %scan3A_6 = arith.constant 1 : i32
    %scan3A_7 = scf.for %scan3A_9 = %scan3A_3 to %scan3A_5 step %scan3A_6 iter_args(%scan3A_10 = %scan3A) -> (i32)  : i32 {
      %mul3A_11 = arith.constant 16 : i32
      %mul3A_12 = arith.muli %scan3A_9, %mul3A_11 : i32
      %add3A_13 = arith.addi %mul3A_2, %mul3A_12 : i32
      %get3A = arith.index_cast %add3A_13 : i32 to index
      %get3A_14 = tpu.vector_load %arg5[%get3A] {strides = array<i32>} : memref<6144xi32, #tpu.memory_space<vmem>>, vector<16xi32>,
      %get3A_15 = vector.shape_cast %get3A_14 : vector<16xi32> to vector<16xi32>
      %get3A_16 = arith.index_cast %add3A_13 : i32 to index
      %get3A_17 = tpu.vector_load %arg6[%get3A_16] {strides = array<i32>} : memref<18432xf32, #tpu.memory_space<vmem>>, vector<16xf32>,
      %get3A_18 = vector.shape_cast %get3A_17 : vector<16xf32> to vector<16xf32>
      %add3A_19 = arith.constant 6144 : i32
      %add3A_20 = arith.addi %add3A_19, %add3A_13 : i32
      %get3A_21 = arith.index_cast %add3A_20 : i32 to index
      %get3A_22 = tpu.vector_load %arg6[%get3A_21] {strides = array<i32>} : memref<18432xf32, #tpu.memory_space<vmem>>, vector<16xf32>,
      %get3A_23 = vector.shape_cast %get3A_22 : vector<16xf32> to vector<16xf32>
      %add3A_24 = arith.constant 12288 : i32
      %add3A_25 = arith.addi %add3A_24, %add3A_13 : i32
      %get3A_26 = arith.index_cast %add3A_25 : i32 to index
      %get3A_27 = tpu.vector_load %arg6[%get3A_26] {strides = array<i32>} : memref<18432xf32, #tpu.memory_space<vmem>>, vector<16xf32>,
      %get3A_28 = vector.shape_cast %get3A_27 : vector<16xf32> to vector<16xf32>
      %mul3A_29 = arith.mulf %get3A_18, %get3A_18 : vector<16xf32>
      %mul3A_30 = arith.mulf %get3A_23, %get3A_23 : vector<16xf32>
      %add3A_31 = arith.addf %mul3A_29, %mul3A_30 : vector<16xf32>
      %mul3A_32 = arith.mulf %get3A_28, %get3A_28 : vector<16xf32>
      %add3A_33 = arith.addf %add3A_31, %mul3A_32 : vector<16xf32>
      %add3A_34 = vector.broadcast %add3A_13 : i32 to vector<16xi32>
      %add3A_35 = arith.addi %add3A_34, %iota3A : vector<16xi32>
      %slice3A = vector.extract_strided_slice %get3A_15 {offsets = [0], sizes = [1], strides = [1]} : vector<16xi32> to vector<1xi32>
      %squeeze3A = vector.extract %slice3A[0] : i32 from vector<1xi32>
      %scan3A_36 = arith.constant 0 : i32
      %scan3A_37 = arith.constant 384 : i32
      %scan3A_38 = arith.constant 0 : i32
      %scan3A_39 = arith.constant 9 : i32
      %scan3A_40 = arith.addi %scan3A_38, %scan3A_39 : i32
      %scan3A_41 = arith.constant 1 : i32
      %scan3A_42:2 = scf.for %scan3A_78 = %scan3A_38 to %scan3A_40 step %scan3A_41 iter_args(%scan3A_79 = %scan3A_36, %scan3A_80 = %scan3A_37) -> (i32, i32)  : i32 {
        %add3A_81 = arith.addi %scan3A_79, %scan3A_80 : i32
        %jit3A = arith.constant 2 : i32
        %div3A = arith.divsi %add3A_81, %jit3A : i32
        %sign3A = arith.constant 0 : i32
        %sign3A_82 = arith.cmpi sgt, %add3A_81, %sign3A : i32
        %sign3A_83 = arith.extui %sign3A_82 : i1 to i32
        %sign3A_84 = arith.constant 0 : i32
        %sign3A_85 = arith.cmpi slt, %add3A_81, %sign3A_84 : i32
        %sign3A_86 = arith.extui %sign3A_85 : i1 to i32
        %sign3A_87 = arith.subi %sign3A_83, %sign3A_86 : i32
        %sign3A_88 = arith.constant 0 : i32
        %sign3A_89 = arith.cmpi sgt, %jit3A, %sign3A_88 : i32
        %sign3A_90 = arith.extui %sign3A_89 : i1 to i32
        %sign3A_91 = arith.constant 0 : i32
        %sign3A_92 = arith.cmpi slt, %jit3A, %sign3A_91 : i32
        %sign3A_93 = arith.extui %sign3A_92 : i1 to i32
        %sign3A_94 = arith.subi %sign3A_90, %sign3A_93 : i32
        %ne3A = arith.cmpi ne, %sign3A_87, %sign3A_94 : i32
        %rem3A = arith.remsi %add3A_81, %jit3A : i32
        %ne3A_95 = arith.constant 0 : i32
        %ne3A_96 = arith.cmpi ne, %rem3A, %ne3A_95 : i32
        %and3A = arith.andi %ne3A, %ne3A_96 : i1
        %sub3A_97 = arith.constant 1 : i32
        %sub3A_98 = arith.subi %div3A, %sub3A_97 : i32
        %select_n3A = arith.select %and3A, %sub3A_98, %div3A : i32
        %mul3A_99 = arith.constant 16 : i32
        %mul3A_100 = arith.muli %select_n3A, %mul3A_99 : i32
        %get3A_101 = arith.index_cast %mul3A_100 : i32 to index
        %get3A_102 = tpu.vector_load %arg5[%get3A_101] {strides = array<i32>} : memref<6144xi32, #tpu.memory_space<vmem>>, vector<16xi32>,
        %get3A_103 = vector.shape_cast %get3A_102 : vector<16xi32> to vector<16xi32>
        %slice3A_104 = vector.extract_strided_slice %get3A_103 {offsets = [0], sizes = [1], strides = [1]} : vector<16xi32> to vector<1xi32>
        %squeeze3A_105 = vector.extract %slice3A_104[0] : i32 from vector<1xi32>
        %lt3A = arith.cmpi slt, %squeeze3A_105, %squeeze3A : i32
        %add3A_106 = arith.constant 1 : i32
        %add3A_107 = arith.addi %select_n3A, %add3A_106 : i32
        %select_n3A_108 = arith.select %lt3A, %add3A_107, %scan3A_79 : i32
        %select_n3A_109 = arith.select %lt3A, %scan3A_80, %select_n3A : i32
        scf.yield %select_n3A_108, %select_n3A_109 : i32, i32
      }
      %scan3A_43 = arith.constant 9 : i32
      %sub3A = arith.constant 1 : i32
      %sub3A_44 = arith.subi %scan3A_42#0, %sub3A : i32
      %max3A = arith.constant 0 : i32
      %max3A_45 = arith.maxsi %sub3A_44, %max3A : i32
      %slice3A_46 = vector.extract_strided_slice %get3A_15 {offsets = [15], sizes = [1], strides = [1]} : vector<16xi32> to vector<1xi32>
      %squeeze3A_47 = vector.extract %slice3A_46[0] : i32 from vector<1xi32>
      %scan3A_48 = arith.constant 0 : i32
      %scan3A_49 = arith.constant 384 : i32
      %scan3A_50 = arith.constant 0 : i32
      %scan3A_51 = arith.constant 9 : i32
      %scan3A_52 = arith.addi %scan3A_50, %scan3A_51 : i32
      %scan3A_53 = arith.constant 1 : i32
      %scan3A_54:2 = scf.for %scan3A_78 = %scan3A_50 to %scan3A_52 step %scan3A_53 iter_args(%scan3A_79 = %scan3A_48, %scan3A_80 = %scan3A_49) -> (i32, i32)  : i32 {
        %add3A_81 = arith.addi %scan3A_79, %scan3A_80 : i32
        %jit3A = arith.constant 2 : i32
        %div3A = arith.divsi %add3A_81, %jit3A : i32
        %sign3A = arith.constant 0 : i32
        %sign3A_82 = arith.cmpi sgt, %add3A_81, %sign3A : i32
        %sign3A_83 = arith.extui %sign3A_82 : i1 to i32
        %sign3A_84 = arith.constant 0 : i32
        %sign3A_85 = arith.cmpi slt, %add3A_81, %sign3A_84 : i32
        %sign3A_86 = arith.extui %sign3A_85 : i1 to i32
        %sign3A_87 = arith.subi %sign3A_83, %sign3A_86 : i32
        %sign3A_88 = arith.constant 0 : i32
        %sign3A_89 = arith.cmpi sgt, %jit3A, %sign3A_88 : i32
        %sign3A_90 = arith.extui %sign3A_89 : i1 to i32
        %sign3A_91 = arith.constant 0 : i32
        %sign3A_92 = arith.cmpi slt, %jit3A, %sign3A_91 : i32
        %sign3A_93 = arith.extui %sign3A_92 : i1 to i32
        %sign3A_94 = arith.subi %sign3A_90, %sign3A_93 : i32
        %ne3A = arith.cmpi ne, %sign3A_87, %sign3A_94 : i32
        %rem3A = arith.remsi %add3A_81, %jit3A : i32
        %ne3A_95 = arith.constant 0 : i32
        %ne3A_96 = arith.cmpi ne, %rem3A, %ne3A_95 : i32
        %and3A = arith.andi %ne3A, %ne3A_96 : i1
        %sub3A_97 = arith.constant 1 : i32
        %sub3A_98 = arith.subi %div3A, %sub3A_97 : i32
        %select_n3A = arith.select %and3A, %sub3A_98, %div3A : i32
        %mul3A_99 = arith.constant 16 : i32
        %mul3A_100 = arith.muli %select_n3A, %mul3A_99 : i32
        %get3A_101 = arith.index_cast %mul3A_100 : i32 to index
        %get3A_102 = tpu.vector_load %arg5[%get3A_101] {strides = array<i32>} : memref<6144xi32, #tpu.memory_space<vmem>>, vector<16xi32>,
        %get3A_103 = vector.shape_cast %get3A_102 : vector<16xi32> to vector<16xi32>
        %slice3A_104 = vector.extract_strided_slice %get3A_103 {offsets = [0], sizes = [1], strides = [1]} : vector<16xi32> to vector<1xi32>
        %squeeze3A_105 = vector.extract %slice3A_104[0] : i32 from vector<1xi32>
        %le3A = arith.cmpi sle, %squeeze3A_105, %squeeze3A_47 : i32
        %add3A_106 = arith.constant 1 : i32
        %add3A_107 = arith.addi %select_n3A, %add3A_106 : i32
        %select_n3A_108 = arith.select %le3A, %add3A_107, %scan3A_79 : i32
        %select_n3A_109 = arith.select %le3A, %scan3A_80, %select_n3A : i32
        scf.yield %select_n3A_108, %select_n3A_109 : i32, i32
      }
      %scan3A_55 = arith.constant 9 : i32
      %sub3A_56 = arith.constant 1 : i32
      %sub3A_57 = arith.subi %scan3A_54#0, %sub3A_56 : i32
      %max3A_58 = arith.constant 0 : i32
      %max3A_59 = arith.maxsi %sub3A_57, %max3A_58 : i32
      %add3A_60 = arith.constant 1 : i32
      %add3A_61 = arith.addi %max3A_59, %add3A_60 : i32
      %broadcast_in_dim3A = arith.constant 0.000000e+00 : f32
      %broadcast_in_dim3A_62 = vector.broadcast %broadcast_in_dim3A : f32 to vector<16xf32>
      %while3A = arith.subi %add3A_61, %max3A_45 : i32
      %while3A_63 = arith.addi %max3A_45, %while3A : i32
      %while3A_64 = arith.constant 1 : i32
      %while3A_65 = arith.divsi %while3A, %while3A_64 : i32
      %while3A_66 = arith.muli %while3A_65, %while3A_64 : i32
      %while3A_67 = arith.addi %max3A_45, %while3A_66 : i32
      %while3A_68 = arith.constant 1 : i32
      %while3A_69 = scf.for %while3A_78 = %max3A_45 to %while3A_67 step %while3A_68 iter_args(%while3A_79 = %broadcast_in_dim3A_62) -> (vector<16xf32>)  : i32 {
        %mul3A_80 = arith.constant 16 : i32
        %mul3A_81 = arith.muli %while3A_78, %mul3A_80 : i32
        %get3A_82 = arith.index_cast %mul3A_81 : i32 to index
        %get3A_83 = tpu.vector_load %arg5[%get3A_82] {strides = array<i32>} : memref<6144xi32, #tpu.memory_space<vmem>>, vector<16xi32>,
        %get3A_84 = vector.shape_cast %get3A_83 : vector<16xi32> to vector<16xi32>
        %get3A_85 = arith.index_cast %mul3A_81 : i32 to index
        %get3A_86 = tpu.vector_load %arg6[%get3A_85] {strides = array<i32>} : memref<18432xf32, #tpu.memory_space<vmem>>, vector<16xf32>,
        %get3A_87 = vector.shape_cast %get3A_86 : vector<16xf32> to vector<16xf32>
        %add3A_88 = arith.constant 6144 : i32
        %add3A_89 = arith.addi %add3A_88, %mul3A_81 : i32
        %get3A_90 = arith.index_cast %add3A_89 : i32 to index
        %get3A_91 = tpu.vector_load %arg6[%get3A_90] {strides = array<i32>} : memref<18432xf32, #tpu.memory_space<vmem>>, vector<16xf32>,
        %get3A_92 = vector.shape_cast %get3A_91 : vector<16xf32> to vector<16xf32>
        %add3A_93 = arith.constant 12288 : i32
        %add3A_94 = arith.addi %add3A_93, %mul3A_81 : i32
        %get3A_95 = arith.index_cast %add3A_94 : i32 to index
        %get3A_96 = tpu.vector_load %arg6[%get3A_95] {strides = array<i32>} : memref<18432xf32, #tpu.memory_space<vmem>>, vector<16xf32>,
        %get3A_97 = vector.shape_cast %get3A_96 : vector<16xf32> to vector<16xf32>
        %scan3A_98 = arith.constant 0 : i32
        %scan3A_99 = arith.constant 4 : i32
        %scan3A_100 = arith.addi %scan3A_98, %scan3A_99 : i32
        %scan3A_101 = arith.constant 1 : i32
        %scan3A_102 = scf.for %scan3A_104 = %scan3A_98 to %scan3A_100 step %scan3A_101 iter_args(%scan3A_105 = %while3A_79) -> (vector<16xf32>)  : i32 {
          %mul3A_106 = arith.constant 4 : i32
          %mul3A_107 = arith.muli %scan3A_104, %mul3A_106 : i32
          %add3A_108 = arith.constant 0 : i32
          %add3A_109 = arith.addi %mul3A_107, %add3A_108 : i32
          %add3A_110 = vector.broadcast %add3A_109 : i32 to vector<16xi32>
          %add3A_111 = arith.addi %iota3A, %add3A_110 : vector<16xi32>
          %rem3A = arith.constant 16 : i32
          %rem3A_112 = vector.broadcast %rem3A : i32 to vector<16xi32>
          %rem3A_113 = arith.remsi %add3A_111, %rem3A_112 : vector<16xi32>
          %broadcast_in_dim3A_114 = vector.shape_cast %rem3A_113 : vector<16xi32> to vector<16x1xi32>
          %gather3A = vector.shape_cast %broadcast_in_dim3A_114 : vector<16x1xi32> to vector<16xi32>
          %gather3A_115 = tpu.dynamic_gather %get3A_84[%gather3A] in [0] : vector<16xi32>, vector<16xi32> -> vector<16xi32>
          %broadcast_in_dim3A_116 = vector.shape_cast %rem3A_113 : vector<16xi32> to vector<16x1xi32>
          %gather3A_117 = vector.shape_cast %broadcast_in_dim3A_116 : vector<16x1xi32> to vector<16xi32>
          %gather3A_118 = tpu.dynamic_gather %get3A_87[%gather3A_117] in [0] : vector<16xf32>, vector<16xi32> -> vector<16xf32>
          %broadcast_in_dim3A_119 = vector.shape_cast %rem3A_113 : vector<16xi32> to vector<16x1xi32>
          %gather3A_120 = vector.shape_cast %broadcast_in_dim3A_119 : vector<16x1xi32> to vector<16xi32>
          %gather3A_121 = tpu.dynamic_gather %get3A_92[%gather3A_120] in [0] : vector<16xf32>, vector<16xi32> -> vector<16xf32>
          %broadcast_in_dim3A_122 = vector.shape_cast %rem3A_113 : vector<16xi32> to vector<16x1xi32>
          %gather3A_123 = vector.shape_cast %broadcast_in_dim3A_122 : vector<16x1xi32> to vector<16xi32>
          %gather3A_124 = tpu.dynamic_gather %get3A_97[%gather3A_123] in [0] : vector<16xf32>, vector<16xi32> -> vector<16xf32>
          %mul3A_125 = arith.mulf %gather3A_118, %gather3A_118 : vector<16xf32>
          %mul3A_126 = arith.mulf %gather3A_121, %gather3A_121 : vector<16xf32>
          %add3A_127 = arith.addf %mul3A_125, %mul3A_126 : vector<16xf32>
          %mul3A_128 = arith.mulf %gather3A_124, %gather3A_124 : vector<16xf32>
          %add3A_129 = arith.addf %add3A_127, %mul3A_128 : vector<16xf32>
          %add3A_130 = arith.addf %add3A_33, %add3A_129 : vector<16xf32>
          %mul3A_131 = arith.mulf %get3A_18, %gather3A_118 : vector<16xf32>
          %mul3A_132 = arith.mulf %get3A_23, %gather3A_121 : vector<16xf32>
          %add3A_133 = arith.addf %mul3A_131, %mul3A_132 : vector<16xf32>
          %mul3A_134 = arith.mulf %get3A_28, %gather3A_124 : vector<16xf32>
          %add3A_135 = arith.addf %add3A_133, %mul3A_134 : vector<16xf32>
          %mul3A_136 = arith.constant 2.000000e+00 : f32
          %mul3A_137 = vector.broadcast %mul3A_136 : f32 to vector<16xf32>
          %mul3A_138 = arith.mulf %mul3A_137, %add3A_135 : vector<16xf32>
          %sub3A_139 = arith.subf %add3A_130, %mul3A_138 : vector<16xf32>
          %eq3A = arith.cmpi eq, %get3A_15, %gather3A_115 : vector<16xi32>
          %lt3A = arith.constant 2.500000e+01 : f32
          %lt3A_140 = vector.broadcast %lt3A : f32 to vector<16xf32>
          %lt3A_141 = arith.cmpf olt, %sub3A_139, %lt3A_140 : vector<16xf32>
          %and3A = arith.andi %eq3A, %lt3A_141 : vector<16xi1>
          %add3A_142 = vector.broadcast %mul3A_81 : i32 to vector<16xi32>
          %add3A_143 = arith.addi %add3A_142, %rem3A_113 : vector<16xi32>
          %ne3A = arith.cmpi ne, %add3A_35, %add3A_143 : vector<16xi32>
          %and3A_144 = arith.andi %and3A, %ne3A : vector<16xi1>
          %jit3A = arith.constant 1.000000e+00 : f32
          %jit3A_145 = arith.constant 0.000000e+00 : f32
          %broadcast_in_dim3A_146 = vector.broadcast %jit3A : f32 to vector<16xf32>
          %broadcast_in_dim3A_147 = vector.broadcast %jit3A_145 : f32 to vector<16xf32>
          %select_n3A = arith.select %and3A_144, %broadcast_in_dim3A_146, %broadcast_in_dim3A_147 : vector<16xi1>, vector<16xf32>
          %add3A_148 = arith.addf %scan3A_105, %select_n3A : vector<16xf32>
          %mul3A_149 = arith.constant 4 : i32
          %mul3A_150 = arith.muli %scan3A_104, %mul3A_149 : i32
          %add3A_151 = arith.constant 1 : i32
          %add3A_152 = arith.addi %mul3A_150, %add3A_151 : i32
          %add3A_153 = vector.broadcast %add3A_152 : i32 to vector<16xi32>
          %add3A_154 = arith.addi %iota3A, %add3A_153 : vector<16xi32>
          %rem3A_155 = arith.constant 16 : i32
          %rem3A_156 = vector.broadcast %rem3A_155 : i32 to vector<16xi32>
          %rem3A_157 = arith.remsi %add3A_154, %rem3A_156 : vector<16xi32>
          %broadcast_in_dim3A_158 = vector.shape_cast %rem3A_157 : vector<16xi32> to vector<16x1xi32>
          %gather3A_159 = vector.shape_cast %broadcast_in_dim3A_158 : vector<16x1xi32> to vector<16xi32>
          %gather3A_160 = tpu.dynamic_gather %get3A_84[%gather3A_159] in [0] : vector<16xi32>, vector<16xi32> -> vector<16xi32>
          %broadcast_in_dim3A_161 = vector.shape_cast %rem3A_157 : vector<16xi32> to vector<16x1xi32>
          %gather3A_162 = vector.shape_cast %broadcast_in_dim3A_161 : vector<16x1xi32> to vector<16xi32>
          %gather3A_163 = tpu.dynamic_gather %get3A_87[%gather3A_162] in [0] : vector<16xf32>, vector<16xi32> -> vector<16xf32>
          %broadcast_in_dim3A_164 = vector.shape_cast %rem3A_157 : vector<16xi32> to vector<16x1xi32>
          %gather3A_165 = vector.shape_cast %broadcast_in_dim3A_164 : vector<16x1xi32> to vector<16xi32>
          %gather3A_166 = tpu.dynamic_gather %get3A_92[%gather3A_165] in [0] : vector<16xf32>, vector<16xi32> -> vector<16xf32>
          %broadcast_in_dim3A_167 = vector.shape_cast %rem3A_157 : vector<16xi32> to vector<16x1xi32>
          %gather3A_168 = vector.shape_cast %broadcast_in_dim3A_167 : vector<16x1xi32> to vector<16xi32>
          %gather3A_169 = tpu.dynamic_gather %get3A_97[%gather3A_168] in [0] : vector<16xf32>, vector<16xi32> -> vector<16xf32>
          %mul3A_170 = arith.mulf %gather3A_163, %gather3A_163 : vector<16xf32>
          %mul3A_171 = arith.mulf %gather3A_166, %gather3A_166 : vector<16xf32>
          %add3A_172 = arith.addf %mul3A_170, %mul3A_171 : vector<16xf32>
          %mul3A_173 = arith.mulf %gather3A_169, %gather3A_169 : vector<16xf32>
          %add3A_174 = arith.addf %add3A_172, %mul3A_173 : vector<16xf32>
          %add3A_175 = arith.addf %add3A_33, %add3A_174 : vector<16xf32>
          %mul3A_176 = arith.mulf %get3A_18, %gather3A_163 : vector<16xf32>
          %mul3A_177 = arith.mulf %get3A_23, %gather3A_166 : vector<16xf32>
          %add3A_178 = arith.addf %mul3A_176, %mul3A_177 : vector<16xf32>
          %mul3A_179 = arith.mulf %get3A_28, %gather3A_169 : vector<16xf32>
          %add3A_180 = arith.addf %add3A_178, %mul3A_179 : vector<16xf32>
          %mul3A_181 = arith.constant 2.000000e+00 : f32
          %mul3A_182 = vector.broadcast %mul3A_181 : f32 to vector<16xf32>
          %mul3A_183 = arith.mulf %mul3A_182, %add3A_180 : vector<16xf32>
          %sub3A_184 = arith.subf %add3A_175, %mul3A_183 : vector<16xf32>
          %eq3A_185 = arith.cmpi eq, %get3A_15, %gather3A_160 : vector<16xi32>
          %lt3A_186 = arith.constant 2.500000e+01 : f32
          %lt3A_187 = vector.broadcast %lt3A_186 : f32 to vector<16xf32>
          %lt3A_188 = arith.cmpf olt, %sub3A_184, %lt3A_187 : vector<16xf32>
          %and3A_189 = arith.andi %eq3A_185, %lt3A_188 : vector<16xi1>
          %add3A_190 = vector.broadcast %mul3A_81 : i32 to vector<16xi32>
          %add3A_191 = arith.addi %add3A_190, %rem3A_157 : vector<16xi32>
          %ne3A_192 = arith.cmpi ne, %add3A_35, %add3A_191 : vector<16xi32>
          %and3A_193 = arith.andi %and3A_189, %ne3A_192 : vector<16xi1>
          %jit3A_194 = arith.constant 1.000000e+00 : f32
          %jit3A_195 = arith.constant 0.000000e+00 : f32
          %broadcast_in_dim3A_196 = vector.broadcast %jit3A_194 : f32 to vector<16xf32>
          %broadcast_in_dim3A_197 = vector.broadcast %jit3A_195 : f32 to vector<16xf32>
          %select_n3A_198 = arith.select %and3A_193, %broadcast_in_dim3A_196, %broadcast_in_dim3A_197 : vector<16xi1>, vector<16xf32>
          %add3A_199 = arith.addf %add3A_148, %select_n3A_198 : vector<16xf32>
          %mul3A_200 = arith.constant 4 : i32
          %mul3A_201 = arith.muli %scan3A_104, %mul3A_200 : i32
          %add3A_202 = arith.constant 2 : i32
          %add3A_203 = arith.addi %mul3A_201, %add3A_202 : i32
          %add3A_204 = vector.broadcast %add3A_203 : i32 to vector<16xi32>
          %add3A_205 = arith.addi %iota3A, %add3A_204 : vector<16xi32>
          %rem3A_206 = arith.constant 16 : i32
          %rem3A_207 = vector.broadcast %rem3A_206 : i32 to vector<16xi32>
          %rem3A_208 = arith.remsi %add3A_205, %rem3A_207 : vector<16xi32>
          %broadcast_in_dim3A_209 = vector.shape_cast %rem3A_208 : vector<16xi32> to vector<16x1xi32>
          %gather3A_210 = vector.shape_cast %broadcast_in_dim3A_209 : vector<16x1xi32> to vector<16xi32>
          %gather3A_211 = tpu.dynamic_gather %get3A_84[%gather3A_210] in [0] : vector<16xi32>, vector<16xi32> -> vector<16xi32>
          %broadcast_in_dim3A_212 = vector.shape_cast %rem3A_208 : vector<16xi32> to vector<16x1xi32>
          %gather3A_213 = vector.shape_cast %broadcast_in_dim3A_212 : vector<16x1xi32> to vector<16xi32>
          %gather3A_214 = tpu.dynamic_gather %get3A_87[%gather3A_213] in [0] : vector<16xf32>, vector<16xi32> -> vector<16xf32>
          %broadcast_in_dim3A_215 = vector.shape_cast %rem3A_208 : vector<16xi32> to vector<16x1xi32>
          %gather3A_216 = vector.shape_cast %broadcast_in_dim3A_215 : vector<16x1xi32> to vector<16xi32>
          %gather3A_217 = tpu.dynamic_gather %get3A_92[%gather3A_216] in [0] : vector<16xf32>, vector<16xi32> -> vector<16xf32>
          %broadcast_in_dim3A_218 = vector.shape_cast %rem3A_208 : vector<16xi32> to vector<16x1xi32>
          %gather3A_219 = vector.shape_cast %broadcast_in_dim3A_218 : vector<16x1xi32> to vector<16xi32>
          %gather3A_220 = tpu.dynamic_gather %get3A_97[%gather3A_219] in [0] : vector<16xf32>, vector<16xi32> -> vector<16xf32>
          %mul3A_221 = arith.mulf %gather3A_214, %gather3A_214 : vector<16xf32>
          %mul3A_222 = arith.mulf %gather3A_217, %gather3A_217 : vector<16xf32>
          %add3A_223 = arith.addf %mul3A_221, %mul3A_222 : vector<16xf32>
          %mul3A_224 = arith.mulf %gather3A_220, %gather3A_220 : vector<16xf32>
          %add3A_225 = arith.addf %add3A_223, %mul3A_224 : vector<16xf32>
          %add3A_226 = arith.addf %add3A_33, %add3A_225 : vector<16xf32>
          %mul3A_227 = arith.mulf %get3A_18, %gather3A_214 : vector<16xf32>
          %mul3A_228 = arith.mulf %get3A_23, %gather3A_217 : vector<16xf32>
          %add3A_229 = arith.addf %mul3A_227, %mul3A_228 : vector<16xf32>
          %mul3A_230 = arith.mulf %get3A_28, %gather3A_220 : vector<16xf32>
          %add3A_231 = arith.addf %add3A_229, %mul3A_230 : vector<16xf32>
          %mul3A_232 = arith.constant 2.000000e+00 : f32
          %mul3A_233 = vector.broadcast %mul3A_232 : f32 to vector<16xf32>
          %mul3A_234 = arith.mulf %mul3A_233, %add3A_231 : vector<16xf32>
          %sub3A_235 = arith.subf %add3A_226, %mul3A_234 : vector<16xf32>
          %eq3A_236 = arith.cmpi eq, %get3A_15, %gather3A_211 : vector<16xi32>
          %lt3A_237 = arith.constant 2.500000e+01 : f32
          %lt3A_238 = vector.broadcast %lt3A_237 : f32 to vector<16xf32>
          %lt3A_239 = arith.cmpf olt, %sub3A_235, %lt3A_238 : vector<16xf32>
          %and3A_240 = arith.andi %eq3A_236, %lt3A_239 : vector<16xi1>
          %add3A_241 = vector.broadcast %mul3A_81 : i32 to vector<16xi32>
          %add3A_242 = arith.addi %add3A_241, %rem3A_208 : vector<16xi32>
          %ne3A_243 = arith.cmpi ne, %add3A_35, %add3A_242 : vector<16xi32>
          %and3A_244 = arith.andi %and3A_240, %ne3A_243 : vector<16xi1>
          %jit3A_245 = arith.constant 1.000000e+00 : f32
          %jit3A_246 = arith.constant 0.000000e+00 : f32
          %broadcast_in_dim3A_247 = vector.broadcast %jit3A_245 : f32 to vector<16xf32>
          %broadcast_in_dim3A_248 = vector.broadcast %jit3A_246 : f32 to vector<16xf32>
          %select_n3A_249 = arith.select %and3A_244, %broadcast_in_dim3A_247, %broadcast_in_dim3A_248 : vector<16xi1>, vector<16xf32>
          %add3A_250 = arith.addf %add3A_199, %select_n3A_249 : vector<16xf32>
          %mul3A_251 = arith.constant 4 : i32
          %mul3A_252 = arith.muli %scan3A_104, %mul3A_251 : i32
          %add3A_253 = arith.constant 3 : i32
          %add3A_254 = arith.addi %mul3A_252, %add3A_253 : i32
          %add3A_255 = vector.broadcast %add3A_254 : i32 to vector<16xi32>
          %add3A_256 = arith.addi %iota3A, %add3A_255 : vector<16xi32>
          %rem3A_257 = arith.constant 16 : i32
          %rem3A_258 = vector.broadcast %rem3A_257 : i32 to vector<16xi32>
          %rem3A_259 = arith.remsi %add3A_256, %rem3A_258 : vector<16xi32>
          %broadcast_in_dim3A_260 = vector.shape_cast %rem3A_259 : vector<16xi32> to vector<16x1xi32>
          %gather3A_261 = vector.shape_cast %broadcast_in_dim3A_260 : vector<16x1xi32> to vector<16xi32>
          %gather3A_262 = tpu.dynamic_gather %get3A_84[%gather3A_261] in [0] : vector<16xi32>, vector<16xi32> -> vector<16xi32>
          %broadcast_in_dim3A_263 = vector.shape_cast %rem3A_259 : vector<16xi32> to vector<16x1xi32>
          %gather3A_264 = vector.shape_cast %broadcast_in_dim3A_263 : vector<16x1xi32> to vector<16xi32>
          %gather3A_265 = tpu.dynamic_gather %get3A_87[%gather3A_264] in [0] : vector<16xf32>, vector<16xi32> -> vector<16xf32>
          %broadcast_in_dim3A_266 = vector.shape_cast %rem3A_259 : vector<16xi32> to vector<16x1xi32>
          %gather3A_267 = vector.shape_cast %broadcast_in_dim3A_266 : vector<16x1xi32> to vector<16xi32>
          %gather3A_268 = tpu.dynamic_gather %get3A_92[%gather3A_267] in [0] : vector<16xf32>, vector<16xi32> -> vector<16xf32>
          %broadcast_in_dim3A_269 = vector.shape_cast %rem3A_259 : vector<16xi32> to vector<16x1xi32>
          %gather3A_270 = vector.shape_cast %broadcast_in_dim3A_269 : vector<16x1xi32> to vector<16xi32>
          %gather3A_271 = tpu.dynamic_gather %get3A_97[%gather3A_270] in [0] : vector<16xf32>, vector<16xi32> -> vector<16xf32>
          %mul3A_272 = arith.mulf %gather3A_265, %gather3A_265 : vector<16xf32>
          %mul3A_273 = arith.mulf %gather3A_268, %gather3A_268 : vector<16xf32>
          %add3A_274 = arith.addf %mul3A_272, %mul3A_273 : vector<16xf32>
          %mul3A_275 = arith.mulf %gather3A_271, %gather3A_271 : vector<16xf32>
          %add3A_276 = arith.addf %add3A_274, %mul3A_275 : vector<16xf32>
          %add3A_277 = arith.addf %add3A_33, %add3A_276 : vector<16xf32>
          %mul3A_278 = arith.mulf %get3A_18, %gather3A_265 : vector<16xf32>
          %mul3A_279 = arith.mulf %get3A_23, %gather3A_268 : vector<16xf32>
          %add3A_280 = arith.addf %mul3A_278, %mul3A_279 : vector<16xf32>
          %mul3A_281 = arith.mulf %get3A_28, %gather3A_271 : vector<16xf32>
          %add3A_282 = arith.addf %add3A_280, %mul3A_281 : vector<16xf32>
          %mul3A_283 = arith.constant 2.000000e+00 : f32
          %mul3A_284 = vector.broadcast %mul3A_283 : f32 to vector<16xf32>
          %mul3A_285 = arith.mulf %mul3A_284, %add3A_282 : vector<16xf32>
          %sub3A_286 = arith.subf %add3A_277, %mul3A_285 : vector<16xf32>
          %eq3A_287 = arith.cmpi eq, %get3A_15, %gather3A_262 : vector<16xi32>
          %lt3A_288 = arith.constant 2.500000e+01 : f32
          %lt3A_289 = vector.broadcast %lt3A_288 : f32 to vector<16xf32>
          %lt3A_290 = arith.cmpf olt, %sub3A_286, %lt3A_289 : vector<16xf32>
          %and3A_291 = arith.andi %eq3A_287, %lt3A_290 : vector<16xi1>
          %add3A_292 = vector.broadcast %mul3A_81 : i32 to vector<16xi32>
          %add3A_293 = arith.addi %add3A_292, %rem3A_259 : vector<16xi32>
          %ne3A_294 = arith.cmpi ne, %add3A_35, %add3A_293 : vector<16xi32>
          %and3A_295 = arith.andi %and3A_291, %ne3A_294 : vector<16xi1>
          %jit3A_296 = arith.constant 1.000000e+00 : f32
          %jit3A_297 = arith.constant 0.000000e+00 : f32
          %broadcast_in_dim3A_298 = vector.broadcast %jit3A_296 : f32 to vector<16xf32>
          %broadcast_in_dim3A_299 = vector.broadcast %jit3A_297 : f32 to vector<16xf32>
          %select_n3A_300 = arith.select %and3A_295, %broadcast_in_dim3A_298, %broadcast_in_dim3A_299 : vector<16xi1>, vector<16xf32>
          %add3A_301 = arith.addf %add3A_250, %select_n3A_300 : vector<16xf32>
          scf.yield %add3A_301 : vector<16xf32>
        }
        %scan3A_103 = arith.constant 4 : i32
        scf.yield %scan3A_102 : vector<16xf32>
      }
      %while3A_70 = arith.constant 1 : i32
      %while3A_71 = scf.for %while3A_78 = %while3A_67 to %while3A_63 step %while3A_70 iter_args(%while3A_79 = %while3A_69) -> (vector<16xf32>)  : i32 {
        %mul3A_80 = arith.constant 16 : i32
        %mul3A_81 = arith.muli %while3A_78, %mul3A_80 : i32
        %get3A_82 = arith.index_cast %mul3A_81 : i32 to index
        %get3A_83 = tpu.vector_load %arg5[%get3A_82] {strides = array<i32>} : memref<6144xi32, #tpu.memory_space<vmem>>, vector<16xi32>,
        %get3A_84 = vector.shape_cast %get3A_83 : vector<16xi32> to vector<16xi32>
        %get3A_85 = arith.index_cast %mul3A_81 : i32 to index
        %get3A_86 = tpu.vector_load %arg6[%get3A_85] {strides = array<i32>} : memref<18432xf32, #tpu.memory_space<vmem>>, vector<16xf32>,
        %get3A_87 = vector.shape_cast %get3A_86 : vector<16xf32> to vector<16xf32>
        %add3A_88 = arith.constant 6144 : i32
        %add3A_89 = arith.addi %add3A_88, %mul3A_81 : i32
        %get3A_90 = arith.index_cast %add3A_89 : i32 to index
        %get3A_91 = tpu.vector_load %arg6[%get3A_90] {strides = array<i32>} : memref<18432xf32, #tpu.memory_space<vmem>>, vector<16xf32>,
        %get3A_92 = vector.shape_cast %get3A_91 : vector<16xf32> to vector<16xf32>
        %add3A_93 = arith.constant 12288 : i32
        %add3A_94 = arith.addi %add3A_93, %mul3A_81 : i32
        %get3A_95 = arith.index_cast %add3A_94 : i32 to index
        %get3A_96 = tpu.vector_load %arg6[%get3A_95] {strides = array<i32>} : memref<18432xf32, #tpu.memory_space<vmem>>, vector<16xf32>,
        %get3A_97 = vector.shape_cast %get3A_96 : vector<16xf32> to vector<16xf32>
        %scan3A_98 = arith.constant 0 : i32
        %scan3A_99 = arith.constant 4 : i32
        %scan3A_100 = arith.addi %scan3A_98, %scan3A_99 : i32
        %scan3A_101 = arith.constant 1 : i32
        %scan3A_102 = scf.for %scan3A_104 = %scan3A_98 to %scan3A_100 step %scan3A_101 iter_args(%scan3A_105 = %while3A_79) -> (vector<16xf32>)  : i32 {
          %mul3A_106 = arith.constant 4 : i32
          %mul3A_107 = arith.muli %scan3A_104, %mul3A_106 : i32
          %add3A_108 = arith.constant 0 : i32
          %add3A_109 = arith.addi %mul3A_107, %add3A_108 : i32
          %add3A_110 = vector.broadcast %add3A_109 : i32 to vector<16xi32>
          %add3A_111 = arith.addi %iota3A, %add3A_110 : vector<16xi32>
          %rem3A = arith.constant 16 : i32
          %rem3A_112 = vector.broadcast %rem3A : i32 to vector<16xi32>
          %rem3A_113 = arith.remsi %add3A_111, %rem3A_112 : vector<16xi32>
          %broadcast_in_dim3A_114 = vector.shape_cast %rem3A_113 : vector<16xi32> to vector<16x1xi32>
          %gather3A = vector.shape_cast %broadcast_in_dim3A_114 : vector<16x1xi32> to vector<16xi32>
          %gather3A_115 = tpu.dynamic_gather %get3A_84[%gather3A] in [0] : vector<16xi32>, vector<16xi32> -> vector<16xi32>
          %broadcast_in_dim3A_116 = vector.shape_cast %rem3A_113 : vector<16xi32> to vector<16x1xi32>
          %gather3A_117 = vector.shape_cast %broadcast_in_dim3A_116 : vector<16x1xi32> to vector<16xi32>
          %gather3A_118 = tpu.dynamic_gather %get3A_87[%gather3A_117] in [0] : vector<16xf32>, vector<16xi32> -> vector<16xf32>
          %broadcast_in_dim3A_119 = vector.shape_cast %rem3A_113 : vector<16xi32> to vector<16x1xi32>
          %gather3A_120 = vector.shape_cast %broadcast_in_dim3A_119 : vector<16x1xi32> to vector<16xi32>
          %gather3A_121 = tpu.dynamic_gather %get3A_92[%gather3A_120] in [0] : vector<16xf32>, vector<16xi32> -> vector<16xf32>
          %broadcast_in_dim3A_122 = vector.shape_cast %rem3A_113 : vector<16xi32> to vector<16x1xi32>
          %gather3A_123 = vector.shape_cast %broadcast_in_dim3A_122 : vector<16x1xi32> to vector<16xi32>
          %gather3A_124 = tpu.dynamic_gather %get3A_97[%gather3A_123] in [0] : vector<16xf32>, vector<16xi32> -> vector<16xf32>
          %mul3A_125 = arith.mulf %gather3A_118, %gather3A_118 : vector<16xf32>
          %mul3A_126 = arith.mulf %gather3A_121, %gather3A_121 : vector<16xf32>
          %add3A_127 = arith.addf %mul3A_125, %mul3A_126 : vector<16xf32>
          %mul3A_128 = arith.mulf %gather3A_124, %gather3A_124 : vector<16xf32>
          %add3A_129 = arith.addf %add3A_127, %mul3A_128 : vector<16xf32>
          %add3A_130 = arith.addf %add3A_33, %add3A_129 : vector<16xf32>
          %mul3A_131 = arith.mulf %get3A_18, %gather3A_118 : vector<16xf32>
          %mul3A_132 = arith.mulf %get3A_23, %gather3A_121 : vector<16xf32>
          %add3A_133 = arith.addf %mul3A_131, %mul3A_132 : vector<16xf32>
          %mul3A_134 = arith.mulf %get3A_28, %gather3A_124 : vector<16xf32>
          %add3A_135 = arith.addf %add3A_133, %mul3A_134 : vector<16xf32>
          %mul3A_136 = arith.constant 2.000000e+00 : f32
          %mul3A_137 = vector.broadcast %mul3A_136 : f32 to vector<16xf32>
          %mul3A_138 = arith.mulf %mul3A_137, %add3A_135 : vector<16xf32>
          %sub3A_139 = arith.subf %add3A_130, %mul3A_138 : vector<16xf32>
          %eq3A = arith.cmpi eq, %get3A_15, %gather3A_115 : vector<16xi32>
          %lt3A = arith.constant 2.500000e+01 : f32
          %lt3A_140 = vector.broadcast %lt3A : f32 to vector<16xf32>
          %lt3A_141 = arith.cmpf olt, %sub3A_139, %lt3A_140 : vector<16xf32>
          %and3A = arith.andi %eq3A, %lt3A_141 : vector<16xi1>
          %add3A_142 = vector.broadcast %mul3A_81 : i32 to vector<16xi32>
          %add3A_143 = arith.addi %add3A_142, %rem3A_113 : vector<16xi32>
          %ne3A = arith.cmpi ne, %add3A_35, %add3A_143 : vector<16xi32>
          %and3A_144 = arith.andi %and3A, %ne3A : vector<16xi1>
          %jit3A = arith.constant 1.000000e+00 : f32
          %jit3A_145 = arith.constant 0.000000e+00 : f32
          %broadcast_in_dim3A_146 = vector.broadcast %jit3A : f32 to vector<16xf32>
          %broadcast_in_dim3A_147 = vector.broadcast %jit3A_145 : f32 to vector<16xf32>
          %select_n3A = arith.select %and3A_144, %broadcast_in_dim3A_146, %broadcast_in_dim3A_147 : vector<16xi1>, vector<16xf32>
          %add3A_148 = arith.addf %scan3A_105, %select_n3A : vector<16xf32>
          %mul3A_149 = arith.constant 4 : i32
          %mul3A_150 = arith.muli %scan3A_104, %mul3A_149 : i32
          %add3A_151 = arith.constant 1 : i32
          %add3A_152 = arith.addi %mul3A_150, %add3A_151 : i32
          %add3A_153 = vector.broadcast %add3A_152 : i32 to vector<16xi32>
          %add3A_154 = arith.addi %iota3A, %add3A_153 : vector<16xi32>
          %rem3A_155 = arith.constant 16 : i32
          %rem3A_156 = vector.broadcast %rem3A_155 : i32 to vector<16xi32>
          %rem3A_157 = arith.remsi %add3A_154, %rem3A_156 : vector<16xi32>
          %broadcast_in_dim3A_158 = vector.shape_cast %rem3A_157 : vector<16xi32> to vector<16x1xi32>
          %gather3A_159 = vector.shape_cast %broadcast_in_dim3A_158 : vector<16x1xi32> to vector<16xi32>
          %gather3A_160 = tpu.dynamic_gather %get3A_84[%gather3A_159] in [0] : vector<16xi32>, vector<16xi32> -> vector<16xi32>
          %broadcast_in_dim3A_161 = vector.shape_cast %rem3A_157 : vector<16xi32> to vector<16x1xi32>
          %gather3A_162 = vector.shape_cast %broadcast_in_dim3A_161 : vector<16x1xi32> to vector<16xi32>
          %gather3A_163 = tpu.dynamic_gather %get3A_87[%gather3A_162] in [0] : vector<16xf32>, vector<16xi32> -> vector<16xf32>
          %broadcast_in_dim3A_164 = vector.shape_cast %rem3A_157 : vector<16xi32> to vector<16x1xi32>
          %gather3A_165 = vector.shape_cast %broadcast_in_dim3A_164 : vector<16x1xi32> to vector<16xi32>
          %gather3A_166 = tpu.dynamic_gather %get3A_92[%gather3A_165] in [0] : vector<16xf32>, vector<16xi32> -> vector<16xf32>
          %broadcast_in_dim3A_167 = vector.shape_cast %rem3A_157 : vector<16xi32> to vector<16x1xi32>
          %gather3A_168 = vector.shape_cast %broadcast_in_dim3A_167 : vector<16x1xi32> to vector<16xi32>
          %gather3A_169 = tpu.dynamic_gather %get3A_97[%gather3A_168] in [0] : vector<16xf32>, vector<16xi32> -> vector<16xf32>
          %mul3A_170 = arith.mulf %gather3A_163, %gather3A_163 : vector<16xf32>
          %mul3A_171 = arith.mulf %gather3A_166, %gather3A_166 : vector<16xf32>
          %add3A_172 = arith.addf %mul3A_170, %mul3A_171 : vector<16xf32>
          %mul3A_173 = arith.mulf %gather3A_169, %gather3A_169 : vector<16xf32>
          %add3A_174 = arith.addf %add3A_172, %mul3A_173 : vector<16xf32>
          %add3A_175 = arith.addf %add3A_33, %add3A_174 : vector<16xf32>
          %mul3A_176 = arith.mulf %get3A_18, %gather3A_163 : vector<16xf32>
          %mul3A_177 = arith.mulf %get3A_23, %gather3A_166 : vector<16xf32>
          %add3A_178 = arith.addf %mul3A_176, %mul3A_177 : vector<16xf32>
          %mul3A_179 = arith.mulf %get3A_28, %gather3A_169 : vector<16xf32>
          %add3A_180 = arith.addf %add3A_178, %mul3A_179 : vector<16xf32>
          %mul3A_181 = arith.constant 2.000000e+00 : f32
          %mul3A_182 = vector.broadcast %mul3A_181 : f32 to vector<16xf32>
          %mul3A_183 = arith.mulf %mul3A_182, %add3A_180 : vector<16xf32>
          %sub3A_184 = arith.subf %add3A_175, %mul3A_183 : vector<16xf32>
          %eq3A_185 = arith.cmpi eq, %get3A_15, %gather3A_160 : vector<16xi32>
          %lt3A_186 = arith.constant 2.500000e+01 : f32
          %lt3A_187 = vector.broadcast %lt3A_186 : f32 to vector<16xf32>
          %lt3A_188 = arith.cmpf olt, %sub3A_184, %lt3A_187 : vector<16xf32>
          %and3A_189 = arith.andi %eq3A_185, %lt3A_188 : vector<16xi1>
          %add3A_190 = vector.broadcast %mul3A_81 : i32 to vector<16xi32>
          %add3A_191 = arith.addi %add3A_190, %rem3A_157 : vector<16xi32>
          %ne3A_192 = arith.cmpi ne, %add3A_35, %add3A_191 : vector<16xi32>
          %and3A_193 = arith.andi %and3A_189, %ne3A_192 : vector<16xi1>
          %jit3A_194 = arith.constant 1.000000e+00 : f32
          %jit3A_195 = arith.constant 0.000000e+00 : f32
          %broadcast_in_dim3A_196 = vector.broadcast %jit3A_194 : f32 to vector<16xf32>
          %broadcast_in_dim3A_197 = vector.broadcast %jit3A_195 : f32 to vector<16xf32>
          %select_n3A_198 = arith.select %and3A_193, %broadcast_in_dim3A_196, %broadcast_in_dim3A_197 : vector<16xi1>, vector<16xf32>
          %add3A_199 = arith.addf %add3A_148, %select_n3A_198 : vector<16xf32>
          %mul3A_200 = arith.constant 4 : i32
          %mul3A_201 = arith.muli %scan3A_104, %mul3A_200 : i32
          %add3A_202 = arith.constant 2 : i32
          %add3A_203 = arith.addi %mul3A_201, %add3A_202 : i32
          %add3A_204 = vector.broadcast %add3A_203 : i32 to vector<16xi32>
          %add3A_205 = arith.addi %iota3A, %add3A_204 : vector<16xi32>
          %rem3A_206 = arith.constant 16 : i32
          %rem3A_207 = vector.broadcast %rem3A_206 : i32 to vector<16xi32>
          %rem3A_208 = arith.remsi %add3A_205, %rem3A_207 : vector<16xi32>
          %broadcast_in_dim3A_209 = vector.shape_cast %rem3A_208 : vector<16xi32> to vector<16x1xi32>
          %gather3A_210 = vector.shape_cast %broadcast_in_dim3A_209 : vector<16x1xi32> to vector<16xi32>
          %gather3A_211 = tpu.dynamic_gather %get3A_84[%gather3A_210] in [0] : vector<16xi32>, vector<16xi32> -> vector<16xi32>
          %broadcast_in_dim3A_212 = vector.shape_cast %rem3A_208 : vector<16xi32> to vector<16x1xi32>
          %gather3A_213 = vector.shape_cast %broadcast_in_dim3A_212 : vector<16x1xi32> to vector<16xi32>
          %gather3A_214 = tpu.dynamic_gather %get3A_87[%gather3A_213] in [0] : vector<16xf32>, vector<16xi32> -> vector<16xf32>
          %broadcast_in_dim3A_215 = vector.shape_cast %rem3A_208 : vector<16xi32> to vector<16x1xi32>
          %gather3A_216 = vector.shape_cast %broadcast_in_dim3A_215 : vector<16x1xi32> to vector<16xi32>
          %gather3A_217 = tpu.dynamic_gather %get3A_92[%gather3A_216] in [0] : vector<16xf32>, vector<16xi32> -> vector<16xf32>
          %broadcast_in_dim3A_218 = vector.shape_cast %rem3A_208 : vector<16xi32> to vector<16x1xi32>
          %gather3A_219 = vector.shape_cast %broadcast_in_dim3A_218 : vector<16x1xi32> to vector<16xi32>
          %gather3A_220 = tpu.dynamic_gather %get3A_97[%gather3A_219] in [0] : vector<16xf32>, vector<16xi32> -> vector<16xf32>
          %mul3A_221 = arith.mulf %gather3A_214, %gather3A_214 : vector<16xf32>
          %mul3A_222 = arith.mulf %gather3A_217, %gather3A_217 : vector<16xf32>
          %add3A_223 = arith.addf %mul3A_221, %mul3A_222 : vector<16xf32>
          %mul3A_224 = arith.mulf %gather3A_220, %gather3A_220 : vector<16xf32>
          %add3A_225 = arith.addf %add3A_223, %mul3A_224 : vector<16xf32>
          %add3A_226 = arith.addf %add3A_33, %add3A_225 : vector<16xf32>
          %mul3A_227 = arith.mulf %get3A_18, %gather3A_214 : vector<16xf32>
          %mul3A_228 = arith.mulf %get3A_23, %gather3A_217 : vector<16xf32>
          %add3A_229 = arith.addf %mul3A_227, %mul3A_228 : vector<16xf32>
          %mul3A_230 = arith.mulf %get3A_28, %gather3A_220 : vector<16xf32>
          %add3A_231 = arith.addf %add3A_229, %mul3A_230 : vector<16xf32>
          %mul3A_232 = arith.constant 2.000000e+00 : f32
          %mul3A_233 = vector.broadcast %mul3A_232 : f32 to vector<16xf32>
          %mul3A_234 = arith.mulf %mul3A_233, %add3A_231 : vector<16xf32>
          %sub3A_235 = arith.subf %add3A_226, %mul3A_234 : vector<16xf32>
          %eq3A_236 = arith.cmpi eq, %get3A_15, %gather3A_211 : vector<16xi32>
          %lt3A_237 = arith.constant 2.500000e+01 : f32
          %lt3A_238 = vector.broadcast %lt3A_237 : f32 to vector<16xf32>
          %lt3A_239 = arith.cmpf olt, %sub3A_235, %lt3A_238 : vector<16xf32>
          %and3A_240 = arith.andi %eq3A_236, %lt3A_239 : vector<16xi1>
          %add3A_241 = vector.broadcast %mul3A_81 : i32 to vector<16xi32>
          %add3A_242 = arith.addi %add3A_241, %rem3A_208 : vector<16xi32>
          %ne3A_243 = arith.cmpi ne, %add3A_35, %add3A_242 : vector<16xi32>
          %and3A_244 = arith.andi %and3A_240, %ne3A_243 : vector<16xi1>
          %jit3A_245 = arith.constant 1.000000e+00 : f32
          %jit3A_246 = arith.constant 0.000000e+00 : f32
          %broadcast_in_dim3A_247 = vector.broadcast %jit3A_245 : f32 to vector<16xf32>
          %broadcast_in_dim3A_248 = vector.broadcast %jit3A_246 : f32 to vector<16xf32>
          %select_n3A_249 = arith.select %and3A_244, %broadcast_in_dim3A_247, %broadcast_in_dim3A_248 : vector<16xi1>, vector<16xf32>
          %add3A_250 = arith.addf %add3A_199, %select_n3A_249 : vector<16xf32>
          %mul3A_251 = arith.constant 4 : i32
          %mul3A_252 = arith.muli %scan3A_104, %mul3A_251 : i32
          %add3A_253 = arith.constant 3 : i32
          %add3A_254 = arith.addi %mul3A_252, %add3A_253 : i32
          %add3A_255 = vector.broadcast %add3A_254 : i32 to vector<16xi32>
          %add3A_256 = arith.addi %iota3A, %add3A_255 : vector<16xi32>
          %rem3A_257 = arith.constant 16 : i32
          %rem3A_258 = vector.broadcast %rem3A_257 : i32 to vector<16xi32>
          %rem3A_259 = arith.remsi %add3A_256, %rem3A_258 : vector<16xi32>
          %broadcast_in_dim3A_260 = vector.shape_cast %rem3A_259 : vector<16xi32> to vector<16x1xi32>
          %gather3A_261 = vector.shape_cast %broadcast_in_dim3A_260 : vector<16x1xi32> to vector<16xi32>
          %gather3A_262 = tpu.dynamic_gather %get3A_84[%gather3A_261] in [0] : vector<16xi32>, vector<16xi32> -> vector<16xi32>
          %broadcast_in_dim3A_263 = vector.shape_cast %rem3A_259 : vector<16xi32> to vector<16x1xi32>
          %gather3A_264 = vector.shape_cast %broadcast_in_dim3A_263 : vector<16x1xi32> to vector<16xi32>
          %gather3A_265 = tpu.dynamic_gather %get3A_87[%gather3A_264] in [0] : vector<16xf32>, vector<16xi32> -> vector<16xf32>
          %broadcast_in_dim3A_266 = vector.shape_cast %rem3A_259 : vector<16xi32> to vector<16x1xi32>
          %gather3A_267 = vector.shape_cast %broadcast_in_dim3A_266 : vector<16x1xi32> to vector<16xi32>
          %gather3A_268 = tpu.dynamic_gather %get3A_92[%gather3A_267] in [0] : vector<16xf32>, vector<16xi32> -> vector<16xf32>
          %broadcast_in_dim3A_269 = vector.shape_cast %rem3A_259 : vector<16xi32> to vector<16x1xi32>
          %gather3A_270 = vector.shape_cast %broadcast_in_dim3A_269 : vector<16x1xi32> to vector<16xi32>
          %gather3A_271 = tpu.dynamic_gather %get3A_97[%gather3A_270] in [0] : vector<16xf32>, vector<16xi32> -> vector<16xf32>
          %mul3A_272 = arith.mulf %gather3A_265, %gather3A_265 : vector<16xf32>
          %mul3A_273 = arith.mulf %gather3A_268, %gather3A_268 : vector<16xf32>
          %add3A_274 = arith.addf %mul3A_272, %mul3A_273 : vector<16xf32>
          %mul3A_275 = arith.mulf %gather3A_271, %gather3A_271 : vector<16xf32>
          %add3A_276 = arith.addf %add3A_274, %mul3A_275 : vector<16xf32>
          %add3A_277 = arith.addf %add3A_33, %add3A_276 : vector<16xf32>
          %mul3A_278 = arith.mulf %get3A_18, %gather3A_265 : vector<16xf32>
          %mul3A_279 = arith.mulf %get3A_23, %gather3A_268 : vector<16xf32>
          %add3A_280 = arith.addf %mul3A_278, %mul3A_279 : vector<16xf32>
          %mul3A_281 = arith.mulf %get3A_28, %gather3A_271 : vector<16xf32>
          %add3A_282 = arith.addf %add3A_280, %mul3A_281 : vector<16xf32>
          %mul3A_283 = arith.constant 2.000000e+00 : f32
          %mul3A_284 = vector.broadcast %mul3A_283 : f32 to vector<16xf32>
          %mul3A_285 = arith.mulf %mul3A_284, %add3A_282 : vector<16xf32>
          %sub3A_286 = arith.subf %add3A_277, %mul3A_285 : vector<16xf32>
          %eq3A_287 = arith.cmpi eq, %get3A_15, %gather3A_262 : vector<16xi32>
          %lt3A_288 = arith.constant 2.500000e+01 : f32
          %lt3A_289 = vector.broadcast %lt3A_288 : f32 to vector<16xf32>
          %lt3A_290 = arith.cmpf olt, %sub3A_286, %lt3A_289 : vector<16xf32>
          %and3A_291 = arith.andi %eq3A_287, %lt3A_290 : vector<16xi1>
          %add3A_292 = vector.broadcast %mul3A_81 : i32 to vector<16xi32>
          %add3A_293 = arith.addi %add3A_292, %rem3A_259 : vector<16xi32>
          %ne3A_294 = arith.cmpi ne, %add3A_35, %add3A_293 : vector<16xi32>
          %and3A_295 = arith.andi %and3A_291, %ne3A_294 : vector<16xi1>
          %jit3A_296 = arith.constant 1.000000e+00 : f32
          %jit3A_297 = arith.constant 0.000000e+00 : f32
          %broadcast_in_dim3A_298 = vector.broadcast %jit3A_296 : f32 to vector<16xf32>
          %broadcast_in_dim3A_299 = vector.broadcast %jit3A_297 : f32 to vector<16xf32>
          %select_n3A_300 = arith.select %and3A_295, %broadcast_in_dim3A_298, %broadcast_in_dim3A_299 : vector<16xi1>, vector<16xf32>
          %add3A_301 = arith.addf %add3A_250, %select_n3A_300 : vector<16xf32>
          scf.yield %add3A_301 : vector<16xf32>
        }
        %scan3A_103 = arith.constant 4 : i32
        scf.yield %scan3A_102 : vector<16xf32>
      }
      %mul3A_72 = arith.constant 16 : i32
      %mul3A_73 = arith.muli %scan3A_9, %mul3A_72 : i32
      %swap3A = arith.index_cast %mul3A_73 : i32 to index
      %swap3A_74 = tpu.vector_load %arg7[%swap3A] {strides = array<i32>} : memref<192xf32, #tpu.memory_space<vmem>>, vector<16xf32>,
      %swap3A_75 = vector.shape_cast %swap3A_74 : vector<16xf32> to vector<16xf32>
      %swap3A_76 = vector.shape_cast %while3A_71 : vector<16xf32> to vector<16xf32>
      tpu.vector_store %arg7[%swap3A], %swap3A_76 {strides = array<i32>} : memref<192xf32, #tpu.memory_space<vmem>>, vector<16xf32>,
      %scan3A_77 = arith.constant 0 : i32
      scf.yield %scan3A_77 : i32
    }
    %scan3A_8 = arith.constant 12 : i32
    "tpu.region"() ({
      %run_scoped3A = tpu.sem_alloc : memref<!tpu.dma_semaphore, #tpu.memory_space<semaphore_mem>>
      %dma_start3A = tpu.memref_slice %arg4[%mul3A_2] : memref<6144xf32, #tpu.memory_space<hbm>> -> memref<192xf32, #tpu.memory_space<hbm>>
      %dma_start3A_9 = tpu.memref_slice %arg4[%mul3A_2] : memref<6144xf32, #tpu.memory_space<hbm>> -> memref<192xf32, #tpu.memory_space<hbm>>
      tpu.enqueue_dma source(%arg7 : memref<192xf32, #tpu.memory_space<vmem>>) target(%dma_start3A_9 : memref<192xf32, #tpu.memory_space<hbm>>) target_semaphore(%run_scoped3A : memref<!tpu.dma_semaphore, #tpu.memory_space<semaphore_mem>>)
      %dma_wait3A = tpu.memref_slice %arg4[%mul3A_2] : memref<6144xf32, #tpu.memory_space<hbm>> -> memref<192xf32, #tpu.memory_space<hbm>>
      %dma_wait3A_10 = tpu.memref_slice %arg4[%mul3A_2] : memref<6144xf32, #tpu.memory_space<hbm>> -> memref<192xf32, #tpu.memory_space<hbm>>
      tpu.wait_dma2 semaphore(%run_scoped3A : memref<!tpu.dma_semaphore, #tpu.memory_space<semaphore_mem>>) src(%arg7 : memref<192xf32, #tpu.memory_space<vmem>>) dst(%dma_wait3A_10 : memref<192xf32, #tpu.memory_space<hbm>>)
      tpu.yield
    }) : () -> ()
    return
  }
}

module attributes {stable_mosaic.version = 14 : i64} {
  func.func @_mlp_dot_kernel(%arg0: memref<1x6144xi32, #tpu.memory_space<vmem>>, %arg1: memref<1x6144xf32, #tpu.memory_space<vmem>>, %arg2: memref<128x128xf32, #tpu.memory_space<vmem>>, %arg3: memref<128x128xf32, #tpu.memory_space<vmem>>, %arg4: memref<1x128xf32, #tpu.memory_space<vmem>>, %arg5: memref<128x128xf32, #tpu.memory_space<vmem>>, %arg6: memref<1x128xf32, #tpu.memory_space<vmem>>, %arg7: memref<1xf32, #tpu.memory_space<smem>>) attributes {dimension_semantics = [], scalar_prefetch = 0 : i64, scratch_operands = 0 : i64, tpu.core_type = #tpu.core_type<tc>} {
    %get3A = arith.constant 0 : index
    %get3A_0 = arith.constant 0 : index
    %get3A_1 = vector.load %arg2[%get3A, %get3A_0] : memref<128x128xf32, #tpu.memory_space<vmem>>, vector<128x128xf32>
    %get3A_2 = arith.constant 0 : index
    %get3A_3 = arith.constant 0 : index
    %get3A_4 = vector.load %arg3[%get3A_2, %get3A_3] : memref<128x128xf32, #tpu.memory_space<vmem>>, vector<128x128xf32>
    %dot_general3A = arith.constant dense<0.000000e+00> : vector<128x128xf32>
    %dot_general3A_5 = tpu.matmul %get3A_1, %get3A_4, %dot_general3A {dimension_numbers = #tpu.dot_dimension_numbers<[1], [1], [0], [0], [0, 0, 1, 0], [], []>, precision = #tpu.contract_precision<fp32>, transpose_lhs_hint = false} : vector<128x128xf32>, vector<128x128xf32>, vector<128x128xf32> -> vector<128x128xf32>
    %get3A_6 = arith.constant 0 : index
    %get3A_7 = arith.constant 0 : index
    %get3A_8 = vector.load %arg4[%get3A_6, %get3A_7] : memref<1x128xf32, #tpu.memory_space<vmem>>, vector<1x128xf32>
    %add3A = vector.broadcast %get3A_8 : vector<1x128xf32> to vector<128x128xf32>
    %add3A_9 = arith.addf %dot_general3A_5, %add3A : vector<128x128xf32>
    %logistic3A = arith.negf %add3A_9 : vector<128x128xf32>
    %logistic3A_10 = math.exp %logistic3A : vector<128x128xf32>
    %logistic3A_11 = arith.constant 1.000000e+00 : f32
    %logistic3A_12 = vector.broadcast %logistic3A_11 : f32 to vector<128x128xf32>
    %logistic3A_13 = arith.addf %logistic3A_12, %logistic3A_10 : vector<128x128xf32>
    %logistic3A_14 = arith.divf %logistic3A_12, %logistic3A_13 : vector<128x128xf32>
    %mul3A = arith.mulf %add3A_9, %logistic3A_14 : vector<128x128xf32>
    %get3A_15 = arith.constant 0 : index
    %get3A_16 = arith.constant 0 : index
    %get3A_17 = vector.load %arg5[%get3A_15, %get3A_16] : memref<128x128xf32, #tpu.memory_space<vmem>>, vector<128x128xf32>
    %reduce_sum3A = arith.constant dense<0.000000e+00> : vector<128xf32>
    %reduce_sum3A_18 = vector.multi_reduction <add>, %get3A_17, %reduce_sum3A [0] : vector<128x128xf32> to vector<128xf32>
    %broadcast_in_dim3A = vector.shape_cast %reduce_sum3A_18 : vector<128xf32> to vector<1x128xf32>
    %mul3A_19 = vector.broadcast %broadcast_in_dim3A : vector<1x128xf32> to vector<128x128xf32>
    %mul3A_20 = arith.mulf %mul3A, %mul3A_19 : vector<128x128xf32>
    %reduce_sum3A_21 = arith.constant dense<0.000000e+00> : vector<128xf32>
    %reduce_sum3A_22 = vector.multi_reduction <add>, %mul3A_20, %reduce_sum3A_21 [1] : vector<128x128xf32> to vector<128xf32>
    %broadcast_in_dim3A_23 = vector.shape_cast %reduce_sum3A_22 : vector<128xf32> to vector<128x1xf32>
    %get3A_24 = arith.constant 0 : index
    %get3A_25 = arith.constant 0 : index
    %get3A_26 = vector.load %arg6[%get3A_24, %get3A_25] : memref<1x128xf32, #tpu.memory_space<vmem>>, vector<1x128xf32>
    %reduce_sum3A_27 = vector.shape_cast %get3A_26 : vector<1x128xf32> to vector<1x1x128xf32>
    %reduce_sum3A_28 = arith.constant dense<0.000000e+00> : vector<1xf32>
    %reduce_sum3A_29 = vector.multi_reduction <add>, %reduce_sum3A_27, %reduce_sum3A_28 [1, 2] : vector<1x1x128xf32> to vector<1xf32>
    %reduce_sum3A_30 = vector.shape_cast %reduce_sum3A_29 : vector<1xf32> to vector<1x1x1xf32>
    %reduce_sum3A_31 = vector.extract %reduce_sum3A_30[0, 0, 0] : f32 from vector<1x1x1xf32>
    %add3A_32 = vector.broadcast %reduce_sum3A_31 : f32 to vector<128x1xf32>
    %add3A_33 = arith.addf %broadcast_in_dim3A_23, %add3A_32 : vector<128x1xf32>
    %iota3A = tpu.iota {dimensions = array<i32: 0>} : vector<128x1xi32>
    %get3A_34 = arith.constant 0 : index
    %get3A_35 = arith.constant 0 : index
    %get3A_36 = vector.load %arg0[%get3A_34, %get3A_35] : memref<1x6144xi32, #tpu.memory_space<vmem>>, vector<1x6144xi32>
    %eq3A = vector.broadcast %iota3A : vector<128x1xi32> to vector<128x6144xi32>
    %eq3A_37 = vector.broadcast %get3A_36 : vector<1x6144xi32> to vector<128x6144xi32>
    %eq3A_38 = arith.cmpi eq, %eq3A, %eq3A_37 : vector<128x6144xi32>
    %convert_element_type3A = arith.extui %eq3A_38 : vector<128x6144xi1> to vector<128x6144xi32>
    %convert_element_type3A_39 = arith.sitofp %convert_element_type3A : vector<128x6144xi32> to vector<128x6144xf32>
    %get3A_40 = arith.constant 0 : index
    %get3A_41 = arith.constant 0 : index
    %get3A_42 = vector.load %arg1[%get3A_40, %get3A_41] : memref<1x6144xf32, #tpu.memory_space<vmem>>, vector<1x6144xf32>
    %dot_general3A_43 = arith.constant dense<0.000000e+00> : vector<128x1xf32>
    %dot_general3A_44 = tpu.matmul %convert_element_type3A_39, %get3A_42, %dot_general3A_43 {dimension_numbers = #tpu.dot_dimension_numbers<[1], [1], [0], [0], [0, 0, 1, 0], [], []>, precision = #tpu.contract_precision<fp32>, transpose_lhs_hint = false} : vector<128x6144xf32>, vector<1x6144xf32>, vector<128x1xf32> -> vector<128x1xf32>
    %mul3A_45 = arith.mulf %dot_general3A_44, %add3A_33 : vector<128x1xf32>
    %reduce_sum3A_46 = vector.shape_cast %mul3A_45 : vector<128x1xf32> to vector<1x128x1xf32>
    %reduce_sum3A_47 = arith.constant dense<0.000000e+00> : vector<1xf32>
    %reduce_sum3A_48 = vector.multi_reduction <add>, %reduce_sum3A_46, %reduce_sum3A_47 [1, 2] : vector<1x128x1xf32> to vector<1xf32>
    %reduce_sum3A_49 = vector.shape_cast %reduce_sum3A_48 : vector<1xf32> to vector<1x1x1xf32>
    %reduce_sum3A_50 = vector.extract %reduce_sum3A_49[0, 0, 0] : f32 from vector<1x1x1xf32>
    %swap3A = arith.constant 0 : index
    %swap3A_51 = memref.load %arg7[%swap3A] : memref<1xf32, #tpu.memory_space<smem>>
    memref.store %reduce_sum3A_50, %arg7[%swap3A] : memref<1xf32, #tpu.memory_space<smem>>
    return
  }
}

</mosaic_0001>

<sc_bundles>
// kernel: kernel.4.cloned.1.call-start
scs
__scs_entry_jumppad:
0x0: {  	(pc) =	sbr.rel $0x88, $3  }
0x1: {  	(tag) =	ssettag $0x0;
	lr =	simm.s32 $0x1  }
0x2: {  	[smem:$0x3F99] =	sst lr;
	_ =	strace $0xD0000000  }
0x3: {  	_ = 	snop  }
0x4: {  	_ = 	snop  }
0x5: {  	_ = 	snop  }
0x6: {  	_ = 	snop  }
0x7: {  	_ = 	snop  }
__scs_overlays_trampoline_lowered:
0x8: {  	[smem:$0x3FA8] =	sst s0  }
0x9: {  	[smem:$0x3FA9] =	sst s1  }
0xa: {  	[smem:$0x3FAA] =	sst s2  }
0xb: {  	[smem:$0x3FAB] =	sst s3  }
0xc: {  	[smem:$0x3FAC] =	sst s4  }
0xd: {  	[smem:$0x3FAD] =	sst s5  }
0xe: {  	[smem:$0x3FAE] =	sst s6  }
0xf: {  	[smem:$0x3FAF] =	sst s7  }
0x10: {  	[smem:$0x3FB0] =	sst s8  }
0x11: {  	[smem:$0x3FB1] =	sst s9;
	s0 =	simm.s32 @!p0 $0x0  }
0x12: {  	s1 =	sld [smem:$0x3F97];
	s0 =	simm.s32 @p0 $0x1  }
0x13: {  	[smem:$0x3FB2] =	sst s0;
	s0 =	simm.s32 @!p1 $0x0  }
0x14: {  	s2 =	sld [smem:$0x3F96];
	s0 =	simm.s32 @p1 $0x1  }
0x15: {  	[smem:$0x3FB3] =	sst s0;
	s0 =	simm.s32 @!p2 $0x0  }
0x16: {  	s3 =	sld [smem:$0x3FDB];
	s0 =	simm.s32 @p2 $0x1  }
0x17: {  	s4 =	simm.s32 $0x1BF5;
	[smem:$0x3FB5] =	sst s0  }
0x18: {  	s0 =	sld [smem:$0x3F98];
	_ =	swait.ge [sflag:s4], $0x0  }
0x19: {  	s7 =	sld [smem:$0x3F99]  }
0x1a: {  	s8 =	sadd.s32 $0xFFFFE003, lr  }
0x1b: {  	s9 =	sadd.s32 $0xFFFFFEF7, lr;
	s5 =	simm.s32 $0xFFFFFFFF;
	p2 =	slt.u32 s8, $0xFFFFF086  }
0x1c: {  	p1 =	slt.u32 s9, $0xF7A;
	s5 =	simm.s32 @!p2 $0x0  }
0x1d: {  	s5 =	simm.s32 @p1 $0x1;
	p0 =	seq.s32 s7, s2  }
0x1e: {  	s7 =	smul.u32 @!p0 $0xF7A, s2;
	p2 =	seq.s32 @!p0 s5, $0x0  }
0x1f: {  	s9 =	smul.u32 $0xF7A, s1;
	s8 =	simm.s32 @!p0 $0x1BF5;
	p2 =	por !p2, p0  }
0x20: {  	[sflag:s8] =	ssyncset.s32 @!p0 $0xFFFFF086;
	s6 =	sadd.s32 @!p0 s3, s7;
	s7 =	simm.s32 @!p0 $0x108  }
0x21: {  	s3 =	sadd.s32 s3, s9;
	s6 =	sadd.s32 @!p0 $0x88, s6;
	s7 =	simm.s32 @p2 $0x1082  }
0x22: {  	[simem:s7], [sflag:s8] =	dma.local @!p0 [hbm:s6], $0xF7A  }
0x23: {  	s9 =	sor.u32 $0xD0000000, s2;
	s6 =	simm.s32 $0x108;
	_ =	swait.ge @!p0 [sflag:s8], $0x0  }
0x24: {  	s3 =	sadd.s32 $0x88, s3;
	s6 =	simm.s32 @!p1 $0x1082;
	[sflag:s4] =	ssyncset.s32 $0xFFFFF086  }
0x25: {  	[simem:s6], [sflag:s4] =	dma.local [hbm:s3], $0xF7A  }
0x26: {  	[smem:$0x3F99] =	sst s1;
	(tag) =	ssettag s2;
	_ =	strace s9  }
0x27: {  	s1 =	sld [smem:$0x3FA9]  }
0x28: {  	s2 =	sld [smem:$0x3FAA]  }
0x29: {  	s4 =	sld [smem:$0x3FAC]  }
0x2a: {  	p0 =	seq.s32 s5, $0x0;
	s5 =	sld [smem:$0x3FAD]  }
0x2b: {  	s6 =	sld [smem:$0x3FAE]  }
0x2c: {  	s7 =	sld [smem:$0x3FAF]  }
0x2d: {  	s3 =	simm.s32 $0x108;
	s8 =	sld [smem:$0x3FB0]  }
0x2e: {  	s3 =	simm.s32 @!p0 $0x1082;
	s9 =	sld [smem:$0x3FB1]  }
0x2f: {  	lr =	sadd.s32 s0, s3;
	s0 =	sld [smem:$0x3FA8]  }
0x30: {  	s3 =	sld [smem:$0x3FAB]  }
0x31: {  	[smem:$0x3FB4] =	sst s10  }
0x32: {  	s10 =	sld [smem:$0x3FB2];
	_ =	sdelay $0x3  }
0x33: {  	p0 =	seq.s32 s10, $0x1;
	s10 =	sld [smem:$0x3FB4];
	_ =	sdelay $0x3  }
0x34: {  	[smem:$0x3FB4] =	sst s10  }
0x35: {  	s10 =	sld [smem:$0x3FB3];
	_ =	sdelay $0x3  }
0x36: {  	p1 =	seq.s32 s10, $0x1;
	s10 =	sld [smem:$0x3FB4];
	_ =	sdelay $0x3  }
0x37: {  	[smem:$0x3FB4] =	sst s10  }
0x38: {  	s10 =	sld [smem:$0x3FB5]  }
0x39: {  	_ = 	snop;
	(pc) =	sbr.ind lr, $3  }
0x3a: {  	_ = 	snop  }
0x3b: {  	_ = 	snop  }
0x3c: {  	p2 =	seq.s32 s10, $0x1;
	s10 =	sld [smem:$0x3FB4]  }
0x3d: {  	_ =	shalt  }
0x3e: {  	_ =	shalt  }
0x3f: {  	_ =	shalt  }
0x40: {  	_ =	shalt  }
0x41: {  	_ =	shalt  }
0x42: {  	_ =	shalt  }
0x43: {  	_ =	shalt  }
0x44: {  	_ =	shalt  }
0x45: {  	_ =	shalt  }
0x46: {  	_ =	shalt  }
0x47: {  	_ =	shalt  }
0x48: {  	_ =	shalt  }
0x49: {  	_ =	shalt  }
0x4a: {  	_ =	shalt  }
0x4b: {  	_ =	shalt  }
0x4c: {  	_ =	shalt  }
0x4d: {  	_ =	shalt  }
0x4e: {  	_ =	shalt  }
0x4f: {  	_ =	shalt  }
0x50: {  	_ =	shalt  }
0x51: {  	_ =	shalt  }
0x52: {  	_ =	shalt  }
0x53: {  	_ =	shalt  }
0x54: {  	_ =	shalt  }
0x55: {  	_ =	shalt  }
0x56: {  	_ =	shalt  }
0x57: {  	_ =	shalt  }
0x58: {  	_ =	shalt  }
0x59: {  	_ =	shalt  }
0x5a: {  	_ =	shalt  }
0x5b: {  	_ =	shalt  }
0x5c: {  	_ =	shalt  }
0x5d: {  	_ =	shalt  }
0x5e: {  	_ =	shalt  }
0x5f: {  	_ =	shalt  }
0x60: {  	_ =	shalt  }
0x61: {  	_ =	shalt  }
0x62: {  	_ =	shalt  }
0x63: {  	_ =	shalt  }
0x64: {  	_ =	shalt  }
0x65: {  	_ =	shalt  }
0x66: {  	_ =	shalt  }
0x67: {  	_ =	shalt  }
0x68: {  	_ =	shalt  }
0x69: {  	_ =	shalt  }
0x6a: {  	_ =	shalt  }
0x6b: {  	_ =	shalt  }
0x6c: {  	_ =	shalt  }
0x6d: {  	_ =	shalt  }
0x6e: {  	_ =	shalt  }
0x6f: {  	_ =	shalt  }
0x70: {  	_ =	shalt  }
0x71: {  	_ =	shalt  }
0x72: {  	_ =	shalt  }
0x73: {  	_ =	shalt  }
0x74: {  	_ =	shalt  }
0x75: {  	_ =	shalt  }
0x76: {  	_ =	shalt  }
0x77: {  	_ =	shalt  }
0x78: {  	_ =	shalt  }
0x79: {  	_ =	shalt  }
0x7a: {  	_ =	shalt  }
0x7b: {  	_ =	shalt  }
0x7c: {  	_ =	shalt  }
0x7d: {  	_ =	shalt  }
0x7e: {  	_ =	shalt  }
0x7f: {  	_ =	shalt  }
0x80: {  	_ =	shalt  }
0x81: {  	_ =	shalt  }
0x82: {  	_ =	shalt  }
0x83: {  	_ =	shalt  }
0x84: {  	_ =	shalt  }
0x85: {  	_ =	shalt  }
0x86: {  	_ =	shalt  }
0x87: {  	_ =	shalt  }
.Lfunc_end0:
.L_simem_size_0:
called_computation_lowered:
.L_overlay_start_0:
0x88: {  	s2 =	sld [smem:$0x3FD9]  }
0x89: {  	s3 =	sld [smem:$0x3FFE];
	_ =	sdelay $0x1  }
0x8a: {  	s1 =	srdreg.scid  }
0x8b: {  	s0 =	sand.u32 $0x1, s1  }
0x8c: {  	s17 =	sshll.u32 s0, $0xA;
	s2 =	sadd.s32 s3, s2  }
0x8d: {  	s2 =	sadd.s32 s2, s17  }
0x8e: {  	[smem:$0x3FC0] =	sst s2  }
0x8f: {  	_ = 	snop  }
0x90: {  	s2 =	sld [smem:$0x3FC7];
	(tm) =	ssettm $0x1  }
0x91: {  	s18 =	sld [smem:$0x3FFB];
	_ =	sdelay $0x3  }
0x92: {  	_ =	strace s18  }
0x93: {  	s3 =	sld [smem:$0x3FFC];
	_ =	sdelay $0x3  }
0x94: {  	_ =	strace s3  }
0x95: {  	s3 =	sld [smem:$0x3FFD];
	_ =	sdelay $0x3  }
0x96: {  	_ =	strace s3  }
0x97: {  	_ =	strace $0x8FFFFFFF  }
0x98: {  	s19 =	sld [smem:$0x3FDB];
	_ =	sdelay $0x1  }
0x99: {  	s4 =	simm.s32 $_scs_section_size  }
0x9a: {  	s5 =	simm.s32 $_size__tile_overlayer_lowered;
	s6 =	simm.s32 $_tile_overlayer_lowered  }
0x9b: {  	s22 =	simm.s32 $0x1BFF;
	s21 =	sshll.u32 s6, $0x1;
	s3 =	sadd.s32 s4, s19  }
0x9c: {  	s7 =	simm.s32 $0x0;
	s20 =	sshll.u32 s5, $0x1;
	s5 =	sadd.s32 s21, s3  }
0x9d: {  	[timem:s7], [sflag:s22] =	dma.local [hbm:s5], s20  }
0x9e: {  	_ =	swait.ge [sflag:s22], s20  }
0x9f: {  	s4 =	ssub.s32 $0x0, s20;
	[sflag:s22] =	ssyncset.done $0x0  }
0xa0: {  	[sflag:s22] =	ssyncadd.s32 s4;
	_ =	sdelay $0x1  }
0xa1: {  	s23 =	simm.s32 $0x1B8B  }
0xa2: {  	_ =	swait.ge [sflag:s23], $0x1  }
0xa3: {  	[sflag:s23] =	ssyncset.done $0x0  }
0xa4: {  	s25 =	simm.s32 $0x1B8E;
	s24 =	sld [smem:$0x3FFE];
	[sflag:s23] =	ssyncadd.s32 $0xFFFFFFFF  }
0xa5: {  	s26 =	simm.s32 $execute0_lowered;
	[smem:$0x3FD2] =	sst s25  }
0xa6: {  	s5 =	sshll.u32 s26, $0x1;
	_ =	strace $0x80000046;
	[dreg:$0x1] =	wrdreg $0xFFFFFFFF  }
0xa7: {  	s28 =	simm.s32 $_size_execute0_lowered;
	s3 =	sadd.s32 s3, s5;
	[dreg:$0x0] =	wrdreg $0x0  }
0xa8: {  	s5 =	sshll.u32 s28, $0x1;
	[dreg:$0x2] =	wrdreg s3  }
0xa9: {  	[dreg:$0x3] =	wrdreg s5  }
0xaa: {  	[dreg:$0x4] =	wrdreg $0xC0  }
0xab: {  	_ =	task [dreg:s7], $0x5FFFF  }
0xac: {  	[dreg:$0x1] =	wrdreg $0xFFFFFFFF  }
0xad: {  	[dreg:$0x0] =	wrdreg $0x60  }
0xae: {  	[dreg:$0x2] =	wrdreg s2  }
0xaf: {  	[dreg:$0x3] =	wrdreg s24  }
0xb0: {  	[dreg:$0x4] =	wrdreg $0x9  }
0xb1: {  	_ =	task.clear_ibuf [dreg:s7], $0x5FFFF;
	_ =	strace $0x90000046  }
0xb2: {  	s29 =	simm.s32 $0x9;
	_ =	strace $0x80000048  }
0xb3: {  	_ =	swait.ge [sflag:s29], $0x1  }
0xb4: {  	[sflag:s29] =	ssyncadd.s32 $0xFFFFFFFF  }
0xb5: {  	_ =	strace $0x90000048  }
0xb6: {  	_ =	sfence  }
0xb7: {  	s30 =	sld [smem:$0x0];
	_ =	sdelay $0x2  }
0xb8: {  	s31 =	sshll.u32 s1, $0xD;
	s1 =	sshrl.u32 s1, $0x2  }
0xb9: {  	s3 =	sand.u32 $0x4000, s31;
	s1 =	sadd.s32 s1, s30  }
0xba: {  	s0 =	sor.u32 s3, s0;
	s1 =	sshll.u32 s1, $0x11  }
0xbb: {  	s0 =	sor.u32 s1, s0  }
0xbc: {  	s0 =	sadd.s32 $0x8F2B, s0  }
0xbd: {  	[sflag:s0] =	ssyncadd.remote.s32 $0x1  }
0xbe: {  	_ =	sfence.sel $0xFFFF  }
0xbf: {  	[dreg:$0x0] =	wrdreg $0xFFFFFFFF;
	(pc) =	sbr.abs _section_cstart, $3  }
0xc0: {  	[dreg:$0x1] =	wrdreg $0xFFFFFFFF  }
0xc1: {  	_ =	task.clear_ibuf [dreg:s7], $0x2FFFF;
	_ =	strace $0x9FFFFFFF  }
0xc2: {  	(tm) =	ssettm $0x7FFFFFFF  }
0xc3: {  	_ =	shalt  }
tec
execute0_lowered:
.L_overlay_start_1:
0x0: {  	(tag) =	ssettag $0x1  }
0x1: {  	s1 =	srdreg.scid  }
0x2: {  	s0 =	stileid.u32;
	s2 =	rddreg [dreg:$0x0]  }
0x3: {  	s6 =	rddreg [dreg:$0x1];
	s5 =	sand.u32 $0x1, s1;
	s31 =	sshll.u32 s0, $0x1  }
0x4: {  	s4 =	simm.s32 $0x0;
	s9 =	simm.s32 $0x1;
	s1 =	sor.u32 s5, s31  }
0x5: {  	s10 =	simm.s32 $0x2;
	s11 =	simm.s32 $0x6000;
	s3 =	smul.u32 $0xC0, s1  }
.Ltmp0:
0x6: {  	s12 =	simm.s32 $0x3;
	[smem:$0x7FF] =	sst s4;
	(pc) =	sbr.rel .LBB2_1-.Ltmp0, $4  }
0x7: {  	s13 =	simm.s32 $0x0;
	s5 =	ssub.s32 $0x2, s5;
	s1 =	rddreg [dreg:$0x2]  }
0x8: {  	s8 =	sshrl.u32 s5, $0x1;
	_ =	strace $0x80000047;
	s7 =	sshrl.u32 s3, $0x3  }
0x9: {  	s8 =	ssub.s32 s5, s8;
	s5 =	sadd.s32 $0x1200, s6;
	s7 =	sadd.s32 s7, s6  }
0xa: {  	v0 =	vlaneseq.u32;
	v1 =	vimm.f32 $0.0e+00;
	v2 =	vmov s3;
	s6 =	sadd.s32 $0x1C00, s7;
	s7 =	smax.u32 s8, $0x1;
	s8 =	simm.s32 $0x1800  }
.LBB2_12:
0xb: {  	s13 =	sadd.s32 $0x1, s13  }
0xc: {  	p0 =	sne.s32 s13, s7  }
.Ltmp1:
0xd: {  	_ = 	snop;
	(pc) =	sbr.rel @!p0 .LBB2_13-.Ltmp1, $4  }
0xe: {  	[hbm4b:s6+s4] =	stream.linear.scatter [tilespmem:s11], [sflag:$0x3], $0xC0, $0x38;
	[tilespmem:$0x6100] =	vst v63  }
0xf: {  	_ =	swait.ge [sflag:s12], $0xC0  }
0x10: {  	[sflag:s12] =	ssyncset.done $0x0  }
0x11: {  	[sflag:s12] =	ssyncadd.s32 $0xFFFFFF40  }
.LBB2_1:
0x12: {  	[tilespmem:s4], [sflag:$0x1] =	stream.linear.gather [hbm4b:s2+s4], $0x1800, $0x38;
	[tilespmem:$0x6100] =	vst v63  }
0x13: {  	_ = 	snop  }
0x14: {  	[tilespmem:s8], [sflag:$0x2] =	stream.linear.gather [hbm4b:s5+s4], $0x4800, $0x38;
	[tilespmem:$0x6100] =	vst v63  }
0x15: {  	_ =	swait.ge [sflag:s9], $0x1800  }
.Ltmp2:
0x16: {  	[sflag:s9] =	ssyncset.done $0x0;
	(pc) =	sbr.rel .LBB2_2-.Ltmp2, $4  }
0x17: {  	[sflag:s9] =	ssyncadd.s32 $0xFFFFE800  }
0x18: {  	_ =	swait.ge [sflag:s10], $0x4800  }
0x19: {  	[sflag:s10] =	ssyncset.done $0x0  }
0x1a: {  	s14 =	simm.s32 $0x0;
	[sflag:s10] =	ssyncadd.s32 $0xFFFFB800  }
.LBB2_11:
0x1b: {  	s14 =	sadd.s32 $0x1, s14  }
0x1c: {  	p0 =	sne.s32 s14, $0xC  }
.Ltmp3:
0x1d: {  	_ = 	snop;
	(pc) =	sbr.rel @!p0 .LBB2_12-.Ltmp3, $2  }
0x1e: {  	_ =	sdelay $0x2  }
0x1f: {  	[tilespmem:s15+$0x6000] =	vst v13  }
.LBB2_2:
0x20: {  	_ =	sdelay $0x2  }
0x21: {  	s15 =	sshll.u32 s14, $0x4  }
0x22: {  	v3 =	vld.idx.msk [tilespmem:v2+s15+$0x0 ss:$0x1], $0xffff;
	_ =	sdelay $0x4  }
0x23: {  	(v2sf) =	vpush v3, $0x0;
	_ =	sdelay $0xb  }
0x24: {  	s17 =	sadd.s32 s3, s15  }
0x25: {  	v4 =	vld.idx.msk [tilespmem:v2+s15+$0x1800 ss:$0x1], $0xffff;
	s19 =	sand.u32 $0x3FF0, s17  }
0x26: {  	s18 =	simm.s32 $0x0;
	s20 =	simm.s32 $0x180;
	v5 =	vld [tilespmem:s19+$0x3000]  }
0x27: {  	s21 =	simm.s32 $0x180;
	v6 =	vld [tilespmem:s19+$0x4800];
	s19 =	simm.s32 $0x8;
	s16 =	spop (v2sf)  }
.LBB2_3:
0x28: {  	s22 =	smov.u32 s20  }
0x29: {  	p0 =	sne.s32 s19, $0x1;
	s20 =	sand.u32 $0x1, s21  }
0x2a: {  	p1 =	slt.s32 s21, $0x1;
	p2 =	seq.s32 s20, $0x1  }
0x2b: {  	s20 =	sshrl.u32 s21, $0x1F;
	p1 =	por !p1, !p2  }
0x2c: {  	s20 =	sadd.s32 s20, s21;
	s21 =	simm.s32 $0x1;
	p1 =	por !p1, !p1  }
0x2d: {  	s20 =	sshra.s32 s20, $0x1;
	s21 =	simm.s32 @!p1 $0x0  }
0x2e: {  	s20 =	ssub.s32 s20, s21  }
0x2f: {  	s21 =	sshll.u32 s20, $0x6  }
0x30: {  	s21 =	sshra.s32 s21, $0x2  }
0x31: {  	v7 =	vld [tilespmem:s21+$0x0];
	_ =	sdelay $0x4  }
0x32: {  	(v2sf) =	vpush v7, $0x0;
	_ =	sdelay $0xd  }
.Ltmp4:
0x33: {  	(pc) =	sbr.rel @p0 .LBB2_3-.Ltmp4, $4  }
0x34: {  	s21 =	spop (v2sf)  }
0x35: {  	p1 =	slt.s32 s21, s16;
	s21 =	sadd.s32 $0x1, s20  }
0x36: {  	s18 =	smov.u32 @p1 s21;
	s20 =	smov.u32 @p1 s22  }
0x37: {  	s19 =	sadd.s32 $0xFFFFFFFF, s19;
	s21 =	sadd.s32 s18, s20  }
0x38: {  	s19 =	sand.u32 $0x1, s21  }
0x39: {  	p0 =	slt.s32 s21, $0x1;
	p1 =	seq.s32 s19, $0x1  }
0x3a: {  	s30 =	sshrl.u32 s21, $0x1F;
	p0 =	por !p0, !p1  }
0x3b: {  	s20 =	simm.s32 $0x1;
	s19 =	sadd.s32 s30, s21;
	p0 =	por !p0, !p0  }
0x3c: {  	s19 =	sshra.s32 s19, $0x1;
	s20 =	simm.s32 @!p0 $0x0  }
0x3d: {  	s19 =	ssub.s32 s19, s20  }
0x3e: {  	s20 =	sshll.u32 s19, $0x6  }
0x3f: {  	s20 =	sshra.s32 s20, $0x2  }
0x40: {  	v7 =	vld [tilespmem:s20+$0x0];
	_ =	sdelay $0x4  }
0x41: {  	(v2sf) =	vpush v7, $0x0;
	_ =	sdelay $0x1  }
0x42: {  	(v2sf) =	vpush v3, $0xF;
	_ =	sdelay $0xc  }
0x43: {  	s22 =	simm.s32 $0x180;
	s21 =	simm.s32 $0x0;
	s31 =	spop (v2sf)  }
0x44: {  	s20 =	simm.s32 $0x8;
	p0 =	slt.s32 s31, s16;
	s16 =	sadd.s32 $0x1, s19  }
0x45: {  	s19 =	simm.s32 $0x180;
	s18 =	smov.u32 @p0 s16;
	s16 =	spop (v2sf)  }
.LBB2_5:
0x46: {  	s23 =	smov.u32 s21  }
0x47: {  	p0 =	sne.s32 s20, $0x1;
	s21 =	sand.u32 $0x1, s22  }
0x48: {  	p1 =	slt.s32 s22, $0x1;
	p2 =	seq.s32 s21, $0x1  }
0x49: {  	s21 =	sshrl.u32 s22, $0x1F;
	p1 =	por !p1, !p2  }
0x4a: {  	s21 =	sadd.s32 s21, s22;
	s22 =	simm.s32 $0x1;
	p1 =	por !p1, !p1  }
0x4b: {  	s21 =	sshra.s32 s21, $0x1;
	s22 =	simm.s32 @!p1 $0x0  }
0x4c: {  	s22 =	ssub.s32 s21, s22  }
0x4d: {  	s21 =	sshll.u32 s22, $0x6  }
0x4e: {  	s21 =	sshra.s32 s21, $0x2  }
0x4f: {  	v7 =	vld [tilespmem:s21+$0x0];
	_ =	sdelay $0x4  }
0x50: {  	(v2sf) =	vpush v7, $0x0;
	_ =	sdelay $0xd  }
.Ltmp5:
0x51: {  	(pc) =	sbr.rel @p0 .LBB2_5-.Ltmp5, $4  }
0x52: {  	s21 =	spop (v2sf)  }
0x53: {  	p1 =	sgt.s32 s21, s16;
	s21 =	sadd.s32 $0x1, s22  }
0x54: {  	s21 =	smov.u32 @p1 s23;
	s19 =	smov.u32 @p1 s22  }
0x55: {  	s20 =	sadd.s32 $0xFFFFFFFF, s20;
	s22 =	sadd.s32 s21, s19  }
0x56: {  	s19 =	sand.u32 $0x1, s22  }
0x57: {  	p0 =	slt.s32 s22, $0x1;
	p1 =	seq.s32 s19, $0x1  }
0x58: {  	s30 =	sshrl.u32 s22, $0x1F;
	p0 =	por !p0, !p1  }
0x59: {  	s20 =	simm.s32 $0x1;
	s19 =	sadd.s32 s30, s22;
	p0 =	por !p0, !p0  }
0x5a: {  	s19 =	sshra.s32 s19, $0x1;
	s20 =	simm.s32 @!p0 $0x0  }
0x5b: {  	s19 =	ssub.s32 s19, s20  }
0x5c: {  	s20 =	sshll.u32 s19, $0x6  }
0x5d: {  	s20 =	sshra.s32 s20, $0x2  }
0x5e: {  	v7 =	vld [tilespmem:s20+$0x0];
	_ =	sdelay $0x4  }
0x5f: {  	(v2sf) =	vpush v7, $0x0;
	_ =	sdelay $0xe  }
0x60: {  	s31 =	spop (v2sf)  }
0x61: {  	p0 =	sgt.s32 s31, s16;
	s16 =	sadd.s32 $0x1, s19  }
0x62: {  	s16 =	smov.u32 @p0 s21  }
0x63: {  	p0 =	sgt.s32 s16, $0x1  }
0x64: {  	s16 =	simm.s32 @!p0 $0x1  }
0x65: {  	p0 =	sgt.s32 s18, s16  }
.Ltmp6:
0x66: {  	_ = 	snop;
	(pc) =	sbr.rel @p0 .LBB2_11-.Ltmp6, $2  }
0x67: {  	_ =	sdelay $0x2  }
0x68: {  	v13 =	vimm.f32 $0.0e+00  }
0x69: {  	v7 =	vmul.f32 v4, v4;
	v8 =	vmul.f32 v5, v5;
	_ =	sdelay $0x1  }
0x6a: {  	p0 =	sgt.s32 s18, $0x1;
	v7 =	vadd.f32 v8, v7;
	v8 =	vmul.f32 v6, v6  }
0x6b: {  	s18 =	simm.s32 @!p0 $0x1  }
0x6c: {  	v13 =	vimm.f32 $0.0e+00;
	v7 =	vadd.f32 v8, v7;
	v8 =	vor.u32 s17, v0;
	s17 =	sadd.s32 $0xFFFFFFFF, s18  }
.LBB2_8:
0x6d: {  	s18 =	sshll.u32 s17, $0x4  }
0x6e: {  	v9 =	vld [tilespmem:s18+$0x0]  }
0x6f: {  	v10 =	vld [tilespmem:s18+$0x1800]  }
0x70: {  	v11 =	vld [tilespmem:s18+$0x4800]  }
0x71: {  	s19 =	simm.s32 $0x1;
	v12 =	vld [tilespmem:s18+$0x3000]  }
0x72: {  	v14 =	vadd.s32 s19, v0  }
0x73: {  	s29 =	simm.s32 $0x2;
	s30 =	simm.s32 $0x3;
	v15 =	vand.u32 $0xF, v14  }
0x74: {  	v26 =	vadd.s32 s30, v0;
	v14 =	vadd.s32 s29, v0;
	v16 =	vperm.xlane v10, v15  }
0x75: {  	s31 =	simm.s32 $0x0;
	v17 =	vand.u32 $0xF, v14;
	v18 =	vperm.xlane v9, v15;
	v19 =	vperm.xlane v11, v15  }
0x76: {  	v30 =	vadd.s32 s31, v0;
	v20 =	vperm.xlane v12, v17;
	v22 =	vperm.xlane v10, v17  }
0x77: {  	v30 =	vand.u32 $0xF, v30;
	v23 =	vperm.xlane v11, v17;
	v24 =	vperm.xlane v12, v15  }
0x78: {  	v26 =	vand.u32 $0xF, v26;
	v50 =	vperm.xlane v10, v30;
	v51 =	vperm.xlane v11, v30  }
0x79: {  	v14 =	vmov s18;
	v55 =	vperm.xlane v12, v26;
	v56 =	vperm.xlane v10, v26  }
0x7a: {  	v15 =	vor.u32 v14, v15;
	v57 =	vperm.xlane v11, v26;
	v59 =	vperm.xlane v9, v30  }
0x7b: {  	vm3 =	vne.s32 v8, v15;
	v15 =	vperm.xlane v9, v17;
	v21 =	vmul.f32 v16, v16  }
0x7c: {  	v16 =	vmul.f32 v16, v4;
	v25 =	vmul.f32 v19, v19  }
0x7d: {  	v19 =	vmul.f32 v19, v6;
	v27 =	vmul.f32 v20, v20  }
0x7e: {  	v28 =	vmul.f32 v22, v4;
	v20 =	vmul.f32 v20, v5  }
0x7f: {  	v22 =	vmul.f32 v22, v22;
	v31 =	vmul.f32 v23, v23  }
0x80: {  	v29 =	vor.u32 v14, v17;
	v32 =	vmul.f32 v24, v24;
	v24 =	vmul.f32 v24, v5  }
0x81: {  	v61 =	vor.u32 v14, v30;
	v52 =	vmul.f32 v50, v4;
	v53 =	vmul.f32 v50, v50  }
0x82: {  	vm2 =	vne.s32 v8, v29;
	v23 =	vmul.f32 v23, v6;
	v54 =	vmul.f32 v51, v51  }
0x83: {  	vm1 =	vne.s32 v8, v61;
	v58 =	vmul.f32 v56, v4;
	v34 =	vmul.f32 v57, v57  }
0x84: {  	v60 =	vmul.f32 v55, v55;
	vm0 =	veq.s32 v3, v59;
	v22 =	vadd.f32 v27, v22  }
0x85: {  	vm4 =	veq.s32 v3, v15;
	v16 =	vadd.f32 v24, v16;
	v20 =	vadd.f32 v20, v28  }
0x86: {  	v15 =	vmul.f32 v55, v5;
	v21 =	vadd.f32 v32, v21;
	v22 =	vadd.f32 v31, v22  }
0x87: {  	v17 =	vadd.f32 v23, v20;
	v16 =	vadd.f32 v19, v16;
	v19 =	vperm.xlane v12, v30  }
0x88: {  	v62 =	vmul.f32 v51, v6;
	v15 =	vadd.f32 v15, v58;
	v21 =	vadd.f32 v25, v21  }
0x89: {  	v17 =	vadd.f32 v17, v17;
	v22 =	vadd.f32 v22, v7;
	v33 =	vmul.f32 v19, v19  }
0x8a: {  	v20 =	vadd.f32 v21, v7;
	v16 =	vadd.f32 v16, v16;
	v19 =	vmul.f32 v19, v5  }
0x8b: {  	v21 =	vmul.f32 v56, v56;
	v17 =	vsub.f32 v22, v17;
	v28 =	vadd.f32 v33, v53  }
0x8c: {  	v63 =	vmul.f32 v57, v6;
	v19 =	vadd.f32 v19, v52;
	v16 =	vsub.f32 v20, v16  }
0x8d: {  	vm7 =	veq.s32 v3, v18;
	v21 =	vadd.f32 v60, v21;
	v20 =	vadd.f32 v54, v28  }
0x8e: {  	vm5 =	vlt.f32 v17, $2.500000000e+01;
	v19 =	vadd.f32 v62, v19;
	vm6 =	vlt.f32 v16, $2.500000000e+01  }
0x8f: {  	v17 =	vadd.f32 v34, v21;
	v21 =	vadd.f32 v63, v15;
	vm6 =	vmand vm7, vm6  }
0x90: {  	vm4 =	vmand vm4, vm5;
	v20 =	vadd.f32 v20, v7;
	v18 =	vadd.f32 v19, v19  }
0x91: {  	v16 =	vadd.f32 v17, v7;
	v17 =	vperm.xlane v9, v26;
	vm3 =	vmand vm3, vm6  }
0x92: {  	vm2 =	vmand vm2, vm4;
	v19 =	vsub.f32 v20, v18;
	v20 =	vor.u32 v14, v26  }
0x93: {  	s18 =	simm.s32 $0x4;
	v15 =	vsel vm3, $0x3F800000, v1;
	v18 =	vadd.f32 v21, v21;
	vm3 =	vne.s32 v8, v20  }
.LBB2_9:
0x94: {  	s19 =	sadd.s32 $0x1, s18;
	s20 =	sadd.s32 $0x2, s18;
	s21 =	sadd.s32 $0x3, s18;
	vm4 =	vlt.f32 v19, $2.500000000e+01;
	v19 =	vsel vm2, $0x3F800000, v1;
	vm2 =	veq.s32 v3, v17  }
0x95: {  	p0 =	sne.s32 s18, $0xC;
	v17 =	vadd.s32 s19, v0;
	v20 =	vadd.s32 s20, v0;
	v16 =	vsub.f32 v16, v18;
	s19 =	smov.u32 s18;
	s18 =	sadd.s32 $0x4, s18  }
0x96: {  	vm0 =	vmand vm0, vm4;
	v17 =	vand.u32 $0xF, v17;
	v18 =	vand.u32 $0xF, v20  }
0x97: {  	vm0 =	vmand vm1, vm0;
	v20 =	vperm.xlane v9, v17;
	v21 =	vperm.xlane v10, v17  }
0x98: {  	v22 =	vperm.xlane v11, v17;
	v23 =	vperm.xlane v12, v18;
	vm1 =	vlt.f32 v16, $2.500000000e+01  }
0x99: {  	v24 =	vperm.xlane v10, v18;
	v25 =	vsel vm0, $0x3F800000, v1;
	v16 =	vmul.f32 v21, v21  }
0x9a: {  	v26 =	vperm.xlane v11, v18;
	vm0 =	vmand vm2, vm1;
	v21 =	vmul.f32 v21, v4  }
0x9b: {  	v27 =	vperm.xlane v12, v17;
	v13 =	vadd.f32 v25, v13;
	v28 =	vmul.f32 v22, v22  }
0x9c: {  	v17 =	vor.u32 v14, v17;
	v25 =	vadd.s32 s21, v0;
	v22 =	vmul.f32 v22, v6  }
0x9d: {  	v29 =	vmul.f32 v23, v23;
	v25 =	vand.u32 $0xF, v25;
	v13 =	vadd.f32 v15, v13  }
0x9e: {  	v30 =	vor.u32 v14, v18;
	v23 =	vmul.f32 v23, v5;
	v15 =	vmul.f32 v24, v4  }
0x9f: {  	v31 =	vmul.f32 v26, v26;
	v24 =	vmul.f32 v24, v24;
	v13 =	vadd.f32 v19, v13  }
0xa0: {  	vm2 =	vne.s32 v8, v30;
	v32 =	vmul.f32 v27, v27;
	v19 =	vadd.s32 s19, v0  }
0xa1: {  	v27 =	vmul.f32 v27, v5;
	vm0 =	vmand vm3, vm0;
	v19 =	vand.u32 $0xF, v19  }
0xa2: {  	v16 =	vadd.f32 v32, v16;
	v24 =	vadd.f32 v29, v24;
	v30 =	vperm.xlane v10, v19  }
0xa3: {  	v21 =	vadd.f32 v27, v21;
	v27 =	vsel vm0, $0x3F800000, v1;
	v29 =	vperm.xlane v11, v19  }
0xa4: {  	v15 =	vadd.f32 v23, v15;
	v13 =	vadd.f32 v27, v13;
	v32 =	vmul.f32 v30, v4  }
0xa5: {  	v26 =	vmul.f32 v26, v6;
	v16 =	vadd.f32 v28, v16;
	v23 =	vmul.f32 v30, v30  }
0xa6: {  	v28 =	vperm.xlane v12, v25;
	v24 =	vadd.f32 v31, v24;
	v27 =	vmul.f32 v29, v29  }
0xa7: {  	vm3 =	vne.s32 v8, v17;
	v17 =	vperm.xlane v9, v18;
	v15 =	vadd.f32 v26, v15  }
0xa8: {  	v18 =	vperm.xlane v10, v25;
	v26 =	vperm.xlane v11, v25;
	v16 =	vadd.f32 v16, v7  }
0xa9: {  	vm4 =	veq.s32 v3, v17;
	v21 =	vadd.f32 v22, v21;
	v17 =	vmul.f32 v28, v5  }
0xaa: {  	v22 =	vperm.xlane v12, v19;
	v15 =	vadd.f32 v15, v15;
	v30 =	vmul.f32 v18, v4  }
0xab: {  	v31 =	vperm.xlane v9, v19;
	v21 =	vadd.f32 v21, v21;
	v24 =	vadd.f32 v24, v7  }
0xac: {  	v33 =	vmul.f32 v22, v22;
	v34 =	vmul.f32 v26, v26;
	v30 =	vadd.f32 v17, v30  }
0xad: {  	v15 =	vsub.f32 v24, v15;
	v17 =	vmul.f32 v18, v18;
	v18 =	vmul.f32 v28, v28  }
0xae: {  	v19 =	vor.u32 v14, v19;
	v22 =	vmul.f32 v22, v5;
	vm0 =	veq.s32 v3, v31  }
0xaf: {  	vm1 =	vne.s32 v8, v19;
	v23 =	vadd.f32 v33, v23;
	v17 =	vadd.f32 v18, v17  }
0xb0: {  	v19 =	vmul.f32 v29, v6;
	v16 =	vsub.f32 v16, v21;
	v18 =	vadd.f32 v22, v32  }
0xb1: {  	v21 =	vadd.f32 v27, v23;
	vm5 =	vlt.f32 v15, $2.500000000e+01;
	v15 =	vadd.f32 v34, v17  }
0xb2: {  	vm6 =	vlt.f32 v16, $2.500000000e+01;
	v17 =	vadd.f32 v19, v18;
	v18 =	vmul.f32 v26, v6  }
.Ltmp7:
0xb3: {  	vm7 =	veq.s32 v3, v20;
	v19 =	vadd.f32 v21, v7;
	v16 =	vadd.f32 v15, v7;
	(pc) =	sbr.rel @p0 .LBB2_9-.Ltmp7, $4  }
0xb4: {  	vm6 =	vmand vm7, vm6;
	v15 =	vadd.f32 v17, v17;
	v17 =	vperm.xlane v9, v25  }
0xb5: {  	vm3 =	vmand vm3, vm6;
	vm4 =	vmand vm4, vm5;
	v18 =	vadd.f32 v18, v30  }
0xb6: {  	v20 =	vor.u32 v14, v25;
	vm2 =	vmand vm2, vm4;
	v19 =	vsub.f32 v19, v15  }
0xb7: {  	v15 =	vsel vm3, $0x3F800000, v1;
	v18 =	vadd.f32 v18, v18;
	vm3 =	vne.s32 v8, v20  }
0xb8: {  	vm4 =	vlt.f32 v19, $2.500000000e+01  }
0xb9: {  	vm0 =	vmand vm0, vm4  }
0xba: {  	vm0 =	vmand vm1, vm0  }
0xbb: {  	v9 =	vsel vm0, $0x3F800000, v1  }
0xbc: {  	s17 =	sadd.s32 $0x1, s17;
	v10 =	vsub.f32 v16, v18;
	v9 =	vadd.f32 v9, v13  }
0xbd: {  	p0 =	slt.s32 s17, s16  }
.Ltmp8:
0xbe: {  	vm14 =	veq.s32 v3, v17;
	vm15 =	vlt.f32 v10, $2.500000000e+01;
	v9 =	vadd.f32 v15, v9;
	(pc) =	sbr.rel @p0 .LBB2_8-.Ltmp8, $4  }
.Ltmp9:
0xbf: {  	v10 =	vsel vm2, $0x3F800000, v1;
	vm0 =	vmand vm14, vm15;
	(pc) =	sbr.rel @!p0 .LBB2_11-.Ltmp9, $4  }
0xc0: {  	vm0 =	vmand vm3, vm0;
	v9 =	vadd.f32 v10, v9  }
0xc1: {  	v10 =	vsel vm0, $0x3F800000, v1  }
0xc2: {  	v13 =	vadd.f32 v10, v9  }
0xc3: {  	_ = 	snop  }
.LBB2_13:
0xc4: {  	_ =	sfence.sel $0x180000  }
0xc5: {  	[bflag:$0x0] =	sbarrier.arrive $0xFFFF  }
0xc6: {  	p0 =	sne.s32 s0, $0x0;
	_ =	strace $0x90000047  }
0xc7: {  	s0 =	sadd.s32 @!p0 $0x100000, s1;
	[bflag:$0x2] =	sbarrier.arrive $0xFFFF  }
0xc8: {  	[sflag:s0] =	ssyncadd.tile.s32 @!p0 $0x1;
	_ =	shalt  }
.Lfunc_end2:
_tile_overlayer_lowered:
.L_overlay_start_2:
0xc9: {  	(tag) =	ssettag $0x2  }
0xca: {  	s0 =	rddreg [dreg:$0x0];
	s2 =	stileid.u32  }
0xcb: {  	s1 =	rddreg [dreg:$0x1];
	p0 =	sne.s32 s2, $0x0  }
0xcc: {  	s3 =	rddreg [dreg:$0x2];
	[bflag:$0x3] =	sbarrier.arrive $0xFFFF;
	s2 =	simm.s32 @!p0 $0x1C03  }
0xcd: {  	[timem:s3], [sflag:s2] =	dma.local @!p0 [hbm:s0], s1  }
0xce: {  	s0 =	simm.s32 @!p0 $0x3  }
0xcf: {  	_ =	swait.ge @!p0 [sflag:s0], s1  }
0xd0: {  	s1 =	ssub.s32 @!p0 $0x0, s1;
	[sflag:s0] =	ssyncset.done @!p0 $0x0  }
0xd1: {  	[sflag:s0] =	ssyncadd.s32 @!p0 s1  }
0xd2: {  	[bflag:$0x3] =	sbarrier.arrive $0xFFFF  }
0xd3: {  	_ =	shalt  }

</sc_bundles>
